<compile_context>
chip_gen: v7x
topology: tpu7x:2x2x1
jax: 0.10.2.dev20260603
libtpu: 0.0.44.dev20260713+nightly
codegen_flags: <defaults>
</compile_context>

<pallas_src>
import jax
import jax.numpy as jnp
from jax import lax
from jax.experimental import pallas as pl
from jax.experimental.pallas import tpu as pltpu
from jax.experimental.pallas import tpu_sc as plsc

D_MODEL = 64
BATCH = 16384
HIST = 50
HIST_PAD = 56
D_PAD = 128
B_TOTAL = BATCH * HIST
NUM_CORES = 2
NUM_SUBCORES = 16
NW = NUM_CORES * NUM_SUBCORES
B_PER_W = B_TOTAL // NW
XROW_PER_W = BATCH // NW
XROW_CHUNK = 8
CHUNK = XROW_CHUNK * HIST
N_CHUNK = XROW_PER_W // XROW_CHUNK
NBUF = 3


def _emb_body(table_hbm, idx_hbm, out_hbm, idx_v, rows_v, sem_g, sem_o):
    wid = lax.axis_index("s") * NUM_CORES + lax.axis_index("c")
    base = wid * B_PER_W
    xbase = wid * XROW_PER_W

    pltpu.sync_copy(idx_hbm.at[pl.ds(base, B_PER_W)], idx_v)

    def idx_slice(j):
        return idx_v.at[pl.ds(j * CHUNK, CHUNK)]

    def start_gather(j, b):
        pltpu.async_copy(table_hbm.at[idx_slice(j)], rows_v[b], sem_g[b])

    def wait_gather(j, b):
        pltpu.make_async_copy(
            table_hbm.at[idx_slice(j)], rows_v[b], sem_g[b]).wait()

    def out_pairs(j, b):
        for i in range(XROW_CHUNK):
            row0 = (xbase + j * XROW_CHUNK + i) * HIST_PAD
            src = rows_v[b].at[pl.ds(i * HIST, HIST), :]
            dst = out_hbm.at[pl.ds(row0, HIST), pl.ds(0, D_MODEL)]
            yield src, dst

    def start_out(j, b):
        for src, dst in out_pairs(j, b):
            pltpu.async_copy(src, dst, sem_o[b])

    def wait_out(j, b):
        for src, dst in out_pairs(j, b):
            pltpu.make_async_copy(src, dst, sem_o[b]).wait()

    for b in range(NBUF - 1):
        start_gather(b, b)

    def step(g, carry):
        for b in range(NBUF):
            j = g * NBUF + b

            @pl.when(j < N_CHUNK)
            def _():
                wait_gather(j, b)
                start_out(j, b)
                bp = (b - 1) % NBUF
                jn = j + NBUF - 1

                @pl.when(jn < N_CHUNK)
                def _():
                    @pl.when(j >= 1)
                    def _():
                        wait_out(j - 1, bp)

                    start_gather(jn, bp)

        return carry

    lax.fori_loop(0, pl.cdiv(N_CHUNK, NBUF), step, 0)

    for b in range(NBUF):
        j_last = N_CHUNK - NBUF + b
        wait_out(j_last, j_last % NBUF)


TR_BK = 8192


def _tr_body(wt_ref, out_ref):
    out_ref[:, :D_MODEL] = wt_ref[...].T
    out_ref[:, D_MODEL:] = jnp.zeros((TR_BK, D_PAD - D_MODEL), jnp.float32)


def _pad_transpose(wt):
    grid = pl.cdiv(1000000, TR_BK)
    return pl.pallas_call(
        _tr_body,
        grid=(grid,),
        in_specs=[pl.BlockSpec((D_MODEL, TR_BK), lambda i: (0, i))],
        out_specs=pl.BlockSpec((TR_BK, D_PAD), lambda i: (i, 0)),
        out_shape=jax.ShapeDtypeStruct((1000000, D_PAD), jnp.float32),
    )(wt)


def kernel(x, weight):
    idx2 = x.reshape(-1) * 2
    wview = _pad_transpose(weight.T).reshape(2 * 1000000, D_MODEL)
    mesh = plsc.VectorSubcoreMesh(core_axis_name="c", subcore_axis_name="s")
    out = pl.kernel(
        _emb_body,
        mesh=mesh,
        out_type=jax.ShapeDtypeStruct((BATCH * HIST_PAD, D_PAD), jnp.float32),
        scratch_types=[
            pltpu.VMEM((B_PER_W,), jnp.int32),
            [pltpu.VMEM((CHUNK, D_MODEL), jnp.float32) for _ in range(NBUF)],
            [pltpu.SemaphoreType.DMA for _ in range(NBUF)],
            [pltpu.SemaphoreType.DMA for _ in range(NBUF)],
        ],
        compiler_params=pltpu.CompilerParams(use_tc_tiling_on_sc=False),
    )(wview, idx2)
    return out.reshape(BATCH, HIST_PAD, D_PAD)[:, :HIST, :D_MODEL]

# --- scband reference (transcript-rebuilt; emitter-appended) ---
"""Pipeline reference for scband-param-embedding-56745107915009 (READ-ONLY COPY).

The authoritative reference and input builder live on the scoring server;
editing this copy changes nothing except your own understanding.
"""

import jax, jax.numpy as jnp
import numpy as np

PATCH_LEN = 1000000
D_MODEL = 64
BATCH = 16384
HIST = 50

def setup_inputs(seed: int = 0) -> dict:
    key = jax.random.key(seed)
    k1, k2 = jax.random.split(key)
    x = jax.random.randint(k1, (BATCH, HIST), 0, PATCH_LEN, dtype=jnp.int64) if jax.config.jax_enable_x64 else jax.random.randint(k1, (BATCH, HIST), 0, PATCH_LEN, dtype=jnp.int32)
    weight = jax.random.normal(k2, (PATCH_LEN, D_MODEL), dtype=jnp.float32) * 0.02
    return {"x": x, "weight": weight}

def reference(x, weight):
    # F.embedding(x, weight) == weight[x]
    return jnp.take(weight, x, axis=0)

if __name__ == "__main__":
    import jax
    _d = setup_inputs()
    print(jax.jit(kernel)(*tuple(_d.values())))

</pallas_src>

<mosaic_0001>
#map = affine_map<(d0, d1) -> (0, 0)>
#map1 = affine_map<(d0, d1) -> (0)>
module attributes {stable_mosaic.version = 14 : i64} {
  func.func @_emb_body(%arg0: i32, %arg1: i32, %arg2: memref<2000000x64xf32, #tpu.memory_space<hbm>>, %arg3: memref<819200xi32, #tpu.memory_space<hbm>>, %arg4: memref<917504x128xf32, #tpu.memory_space<hbm>>, %arg5: memref<25600xi32, #tpu.memory_space<vmem>>, %arg6: memref<400x64xf32, #tpu.memory_space<vmem>>, %arg7: memref<400x64xf32, #tpu.memory_space<vmem>>, %arg8: memref<400x64xf32, #tpu.memory_space<vmem>>, %arg9: memref<!tpu.dma_semaphore, #tpu.memory_space<semaphore_mem>>, %arg10: memref<!tpu.dma_semaphore, #tpu.memory_space<semaphore_mem>>, %arg11: memref<!tpu.dma_semaphore, #tpu.memory_space<semaphore_mem>>, %arg12: memref<!tpu.dma_semaphore, #tpu.memory_space<semaphore_mem>>, %arg13: memref<!tpu.dma_semaphore, #tpu.memory_space<semaphore_mem>>, %arg14: memref<!tpu.dma_semaphore, #tpu.memory_space<semaphore_mem>>) attributes {dimension_semantics = [#tpu.dimension_semantics<core_parallel>, #tpu.dimension_semantics<subcore_parallel>], iteration_bounds = array<i64: 2, 16>, scalar_prefetch = 0 : i64, scratch_operands = 10 : i64, tpu.core_type = #tpu.core_type<sc_vector_subcore>, window_params = [{transform_indices = #map}, {transform_indices = #map1}, {transform_indices = #map}]} {
    %mul3A = arith.constant 2 : i32
    %mul3A_0 = arith.muli %arg1, %mul3A : i32
    %add3A = arith.addi %mul3A_0, %arg0 : i32
    %mul3A_1 = arith.constant 25600 : i32
    %mul3A_2 = arith.muli %add3A, %mul3A_1 : i32
    %mul3A_3 = arith.constant 512 : i32
    %mul3A_4 = arith.muli %add3A, %mul3A_3 : i32
    "tpu.region"() ({
      %run_scoped3A = tpu.sem_alloc : memref<!tpu.dma_semaphore, #tpu.memory_space<semaphore_mem>>
      %dma_start3A_402 = tpu.memref_slice %arg3[%mul3A_2] : memref<819200xi32, #tpu.memory_space<hbm>> -> memref<25600xi32, #tpu.memory_space<hbm>>
      %dma_start3A_403 = tpu.memref_slice %arg3[%mul3A_2] : memref<819200xi32, #tpu.memory_space<hbm>> -> memref<25600xi32, #tpu.memory_space<hbm>>
      tpu.enqueue_dma source(%dma_start3A_403 : memref<25600xi32, #tpu.memory_space<hbm>>) target(%arg5 : memref<25600xi32, #tpu.memory_space<vmem>>) target_semaphore(%run_scoped3A : memref<!tpu.dma_semaphore, #tpu.memory_space<semaphore_mem>>)
      %dma_wait3A_404 = tpu.memref_slice %arg3[%mul3A_2] : memref<819200xi32, #tpu.memory_space<hbm>> -> memref<25600xi32, #tpu.memory_space<hbm>>
      %dma_wait3A_405 = tpu.memref_slice %arg3[%mul3A_2] : memref<819200xi32, #tpu.memory_space<hbm>> -> memref<25600xi32, #tpu.memory_space<hbm>>
      tpu.wait_dma2 semaphore(%run_scoped3A : memref<!tpu.dma_semaphore, #tpu.memory_space<semaphore_mem>>) src(%dma_wait3A_405 : memref<25600xi32, #tpu.memory_space<hbm>>) dst(%arg5 : memref<25600xi32, #tpu.memory_space<vmem>>)
      tpu.yield
    }) : () -> ()
    %dma_start3A = arith.constant 0 : i32
    %dma_start3A_5 = tpu.memref_slice %arg5[%dma_start3A] : memref<25600xi32, #tpu.memory_space<vmem>> -> memref<400xi32, #tpu.memory_space<vmem>>
    %dma_start3A_6 = arith.constant 0 : i32
    %dma_start3A_7 = arith.constant 0 : i32
    %dma_start3A_8 = tpu.memref_slice %arg2[%dma_start3A_6, %dma_start3A_7] : memref<2000000x64xf32, #tpu.memory_space<hbm>> -> memref<2000000x64xf32, #tpu.memory_space<hbm>>
    tpu.enqueue_indirect_dma source(%dma_start3A_8 : memref<2000000x64xf32, #tpu.memory_space<hbm>>) target(%arg6 : memref<400x64xf32, #tpu.memory_space<vmem>>) offsets(%dma_start3A_5 : memref<400xi32, #tpu.memory_space<vmem>>) semaphore(%arg9 : memref<!tpu.dma_semaphore, #tpu.memory_space<semaphore_mem>>)
    %dma_start3A_9 = arith.constant 400 : i32
    %dma_start3A_10 = tpu.memref_slice %arg5[%dma_start3A_9] : memref<25600xi32, #tpu.memory_space<vmem>> -> memref<400xi32, #tpu.memory_space<vmem>>
    %dma_start3A_11 = arith.constant 0 : i32
    %dma_start3A_12 = arith.constant 0 : i32
    %dma_start3A_13 = tpu.memref_slice %arg2[%dma_start3A_11, %dma_start3A_12] : memref<2000000x64xf32, #tpu.memory_space<hbm>> -> memref<2000000x64xf32, #tpu.memory_space<hbm>>
    tpu.enqueue_indirect_dma source(%dma_start3A_13 : memref<2000000x64xf32, #tpu.memory_space<hbm>>) target(%arg7 : memref<400x64xf32, #tpu.memory_space<vmem>>) offsets(%dma_start3A_10 : memref<400xi32, #tpu.memory_space<vmem>>) semaphore(%arg10 : memref<!tpu.dma_semaphore, #tpu.memory_space<semaphore_mem>>)
    %scan3A = arith.constant 0 : i32
    %scan3A_14 = arith.constant 0 : i32
    %scan3A_15 = arith.constant 22 : i32
    %scan3A_16 = arith.addi %scan3A_14, %scan3A_15 : i32
    %scan3A_17 = arith.constant 1 : i32
    scf.for %scan3A_402 = %scan3A_14 to %scan3A_16 step %scan3A_17  : i32 {
      %mul3A_403 = arith.constant 3 : i32
      %mul3A_404 = arith.muli %scan3A_402, %mul3A_403 : i32
      %add3A_405 = arith.constant 0 : i32
      %add3A_406 = arith.addi %mul3A_404, %add3A_405 : i32
      %lt3A = arith.constant 64 : i32
      %lt3A_407 = arith.cmpi slt, %add3A_406, %lt3A : i32
      %convert_element_type3A = arith.extui %lt3A_407 : i1 to i32
      %cond3A = arith.constant 0 : i32
      %cond3A_408 = arith.cmpi ne, %convert_element_type3A, %cond3A : i32
      scf.if %cond3A_408 {
        %mul3A_427 = arith.constant 400 : i32
        %mul3A_428 = arith.muli %add3A_406, %mul3A_427 : i32
        %dma_wait3A_429 = tpu.memref_slice %arg5[%mul3A_428] : memref<25600xi32, #tpu.memory_space<vmem>> -> memref<400xi32, #tpu.memory_space<vmem>>
        %dma_wait3A_430 = arith.constant 0 : i32
        %dma_wait3A_431 = arith.constant 0 : i32
        %dma_wait3A_432 = tpu.memref_slice %arg2[%dma_wait3A_430, %dma_wait3A_431] : memref<2000000x64xf32, #tpu.memory_space<hbm>> -> memref<2000000x64xf32, #tpu.memory_space<hbm>>
        tpu.wait_indirect_dma semaphore(%arg9 : memref<!tpu.dma_semaphore, #tpu.memory_space<semaphore_mem>>) src(%dma_wait3A_432 : memref<2000000x64xf32, #tpu.memory_space<hbm>>) dst(%arg6 : memref<400x64xf32, #tpu.memory_space<vmem>>)
        %mul3A_433 = arith.constant 8 : i32
        %mul3A_434 = arith.muli %add3A_406, %mul3A_433 : i32
        %add3A_435 = arith.addi %mul3A_4, %mul3A_434 : i32
        %add3A_436 = arith.constant 0 : i32
        %add3A_437 = arith.addi %add3A_435, %add3A_436 : i32
        %mul3A_438 = arith.constant 56 : i32
        %mul3A_439 = arith.muli %add3A_437, %mul3A_438 : i32
        %dma_start3A_440 = arith.constant 0 : i32
        %dma_start3A_441 = arith.constant 0 : i32
        %dma_start3A_442 = tpu.memref_slice %arg6[%dma_start3A_440, %dma_start3A_441] : memref<400x64xf32, #tpu.memory_space<vmem>> -> memref<50x64xf32, #tpu.memory_space<vmem>>
        %dma_start3A_443 = arith.constant 0 : i32
        %dma_start3A_444 = tpu.memref_slice %arg4[%mul3A_439, %dma_start3A_443] : memref<917504x128xf32, #tpu.memory_space<hbm>> -> memref<50x64xf32, #tpu.memory_space<hbm>>
        %dma_start3A_445 = arith.constant 0 : i32
        %dma_start3A_446 = tpu.memref_slice %arg4[%mul3A_439, %dma_start3A_445] : memref<917504x128xf32, #tpu.memory_space<hbm>> -> memref<50x64xf32, #tpu.memory_space<hbm>>
        %dma_start3A_447 = arith.constant 0 : i32
        %dma_start3A_448 = arith.constant 0 : i32
        %dma_start3A_449 = tpu.memref_slice %arg6[%dma_start3A_447, %dma_start3A_448] : memref<400x64xf32, #tpu.memory_space<vmem>> -> memref<50x64xf32, #tpu.memory_space<vmem>>
        tpu.enqueue_dma source(%dma_start3A_449 : memref<50x64xf32, #tpu.memory_space<vmem>>) target(%dma_start3A_446 : memref<50x64xf32, #tpu.memory_space<hbm>>) target_semaphore(%arg12 : memref<!tpu.dma_semaphore, #tpu.memory_space<semaphore_mem>>)
        %mul3A_450 = arith.constant 8 : i32
        %mul3A_451 = arith.muli %add3A_406, %mul3A_450 : i32
        %add3A_452 = arith.addi %mul3A_4, %mul3A_451 : i32
        %add3A_453 = arith.constant 1 : i32
        %add3A_454 = arith.addi %add3A_452, %add3A_453 : i32
        %mul3A_455 = arith.constant 56 : i32
        %mul3A_456 = arith.muli %add3A_454, %mul3A_455 : i32
        %dma_start3A_457 = arith.constant 50 : i32
        %dma_start3A_458 = arith.constant 0 : i32
        %dma_start3A_459 = tpu.memref_slice %arg6[%dma_start3A_457, %dma_start3A_458] : memref<400x64xf32, #tpu.memory_space<vmem>> -> memref<50x64xf32, #tpu.memory_space<vmem>>
        %dma_start3A_460 = arith.constant 0 : i32
        %dma_start3A_461 = tpu.memref_slice %arg4[%mul3A_456, %dma_start3A_460] : memref<917504x128xf32, #tpu.memory_space<hbm>> -> memref<50x64xf32, #tpu.memory_space<hbm>>
        %dma_start3A_462 = arith.constant 0 : i32
        %dma_start3A_463 = tpu.memref_slice %arg4[%mul3A_456, %dma_start3A_462] : memref<917504x128xf32, #tpu.memory_space<hbm>> -> memref<50x64xf32, #tpu.memory_space<hbm>>
        %dma_start3A_464 = arith.constant 50 : i32
        %dma_start3A_465 = arith.constant 0 : i32
        %dma_start3A_466 = tpu.memref_slice %arg6[%dma_start3A_464, %dma_start3A_465] : memref<400x64xf32, #tpu.memory_space<vmem>> -> memref<50x64xf32, #tpu.memory_space<vmem>>
        tpu.enqueue_dma source(%dma_start3A_466 : memref<50x64xf32, #tpu.memory_space<vmem>>) target(%dma_start3A_463 : memref<50x64xf32, #tpu.memory_space<hbm>>) target_semaphore(%arg12 : memref<!tpu.dma_semaphore, #tpu.memory_space<semaphore_mem>>)
        %mul3A_467 = arith.constant 8 : i32
        %mul3A_468 = arith.muli %add3A_406, %mul3A_467 : i32
        %add3A_469 = arith.addi %mul3A_4, %mul3A_468 : i32
        %add3A_470 = arith.constant 2 : i32
        %add3A_471 = arith.addi %add3A_469, %add3A_470 : i32
        %mul3A_472 = arith.constant 56 : i32
        %mul3A_473 = arith.muli %add3A_471, %mul3A_472 : i32
        %dma_start3A_474 = arith.constant 100 : i32
        %dma_start3A_475 = arith.constant 0 : i32
        %dma_start3A_476 = tpu.memref_slice %arg6[%dma_start3A_474, %dma_start3A_475] : memref<400x64xf32, #tpu.memory_space<vmem>> -> memref<50x64xf32, #tpu.memory_space<vmem>>
        %dma_start3A_477 = arith.constant 0 : i32
        %dma_start3A_478 = tpu.memref_slice %arg4[%mul3A_473, %dma_start3A_477] : memref<917504x128xf32, #tpu.memory_space<hbm>> -> memref<50x64xf32, #tpu.memory_space<hbm>>
        %dma_start3A_479 = arith.constant 0 : i32
        %dma_start3A_480 = tpu.memref_slice %arg4[%mul3A_473, %dma_start3A_479] : memref<917504x128xf32, #tpu.memory_space<hbm>> -> memref<50x64xf32, #tpu.memory_space<hbm>>
        %dma_start3A_481 = arith.constant 100 : i32
        %dma_start3A_482 = arith.constant 0 : i32
        %dma_start3A_483 = tpu.memref_slice %arg6[%dma_start3A_481, %dma_start3A_482] : memref<400x64xf32, #tpu.memory_space<vmem>> -> memref<50x64xf32, #tpu.memory_space<vmem>>
        tpu.enqueue_dma source(%dma_start3A_483 : memref<50x64xf32, #tpu.memory_space<vmem>>) target(%dma_start3A_480 : memref<50x64xf32, #tpu.memory_space<hbm>>) target_semaphore(%arg12 : memref<!tpu.dma_semaphore, #tpu.memory_space<semaphore_mem>>)
        %mul3A_484 = arith.constant 8 : i32
        %mul3A_485 = arith.muli %add3A_406, %mul3A_484 : i32
        %add3A_486 = arith.addi %mul3A_4, %mul3A_485 : i32
        %add3A_487 = arith.constant 3 : i32
        %add3A_488 = arith.addi %add3A_486, %add3A_487 : i32
        %mul3A_489 = arith.constant 56 : i32
        %mul3A_490 = arith.muli %add3A_488, %mul3A_489 : i32
        %dma_start3A_491 = arith.constant 150 : i32
        %dma_start3A_492 = arith.constant 0 : i32
        %dma_start3A_493 = tpu.memref_slice %arg6[%dma_start3A_491, %dma_start3A_492] : memref<400x64xf32, #tpu.memory_space<vmem>> -> memref<50x64xf32, #tpu.memory_space<vmem>>
        %dma_start3A_494 = arith.constant 0 : i32
        %dma_start3A_495 = tpu.memref_slice %arg4[%mul3A_490, %dma_start3A_494] : memref<917504x128xf32, #tpu.memory_space<hbm>> -> memref<50x64xf32, #tpu.memory_space<hbm>>
        %dma_start3A_496 = arith.constant 0 : i32
        %dma_start3A_497 = tpu.memref_slice %arg4[%mul3A_490, %dma_start3A_496] : memref<917504x128xf32, #tpu.memory_space<hbm>> -> memref<50x64xf32, #tpu.memory_space<hbm>>
        %dma_start3A_498 = arith.constant 150 : i32
        %dma_start3A_499 = arith.constant 0 : i32
        %dma_start3A_500 = tpu.memref_slice %arg6[%dma_start3A_498, %dma_start3A_499] : memref<400x64xf32, #tpu.memory_space<vmem>> -> memref<50x64xf32, #tpu.memory_space<vmem>>
        tpu.enqueue_dma source(%dma_start3A_500 : memref<50x64xf32, #tpu.memory_space<vmem>>) target(%dma_start3A_497 : memref<50x64xf32, #tpu.memory_space<hbm>>) target_semaphore(%arg12 : memref<!tpu.dma_semaphore, #tpu.memory_space<semaphore_mem>>)
        %mul3A_501 = arith.constant 8 : i32
        %mul3A_502 = arith.muli %add3A_406, %mul3A_501 : i32
        %add3A_503 = arith.addi %mul3A_4, %mul3A_502 : i32
        %add3A_504 = arith.constant 4 : i32
        %add3A_505 = arith.addi %add3A_503, %add3A_504 : i32
        %mul3A_506 = arith.constant 56 : i32
        %mul3A_507 = arith.muli %add3A_505, %mul3A_506 : i32
        %dma_start3A_508 = arith.constant 200 : i32
        %dma_start3A_509 = arith.constant 0 : i32
        %dma_start3A_510 = tpu.memref_slice %arg6[%dma_start3A_508, %dma_start3A_509] : memref<400x64xf32, #tpu.memory_space<vmem>> -> memref<50x64xf32, #tpu.memory_space<vmem>>
        %dma_start3A_511 = arith.constant 0 : i32
        %dma_start3A_512 = tpu.memref_slice %arg4[%mul3A_507, %dma_start3A_511] : memref<917504x128xf32, #tpu.memory_space<hbm>> -> memref<50x64xf32, #tpu.memory_space<hbm>>
        %dma_start3A_513 = arith.constant 0 : i32
        %dma_start3A_514 = tpu.memref_slice %arg4[%mul3A_507, %dma_start3A_513] : memref<917504x128xf32, #tpu.memory_space<hbm>> -> memref<50x64xf32, #tpu.memory_space<hbm>>
        %dma_start3A_515 = arith.constant 200 : i32
        %dma_start3A_516 = arith.constant 0 : i32
        %dma_start3A_517 = tpu.memref_slice %arg6[%dma_start3A_515, %dma_start3A_516] : memref<400x64xf32, #tpu.memory_space<vmem>> -> memref<50x64xf32, #tpu.memory_space<vmem>>
        tpu.enqueue_dma source(%dma_start3A_517 : memref<50x64xf32, #tpu.memory_space<vmem>>) target(%dma_start3A_514 : memref<50x64xf32, #tpu.memory_space<hbm>>) target_semaphore(%arg12 : memref<!tpu.dma_semaphore, #tpu.memory_space<semaphore_mem>>)
        %mul3A_518 = arith.constant 8 : i32
        %mul3A_519 = arith.muli %add3A_406, %mul3A_518 : i32
        %add3A_520 = arith.addi %mul3A_4, %mul3A_519 : i32
        %add3A_521 = arith.constant 5 : i32
        %add3A_522 = arith.addi %add3A_520, %add3A_521 : i32
        %mul3A_523 = arith.constant 56 : i32
        %mul3A_524 = arith.muli %add3A_522, %mul3A_523 : i32
        %dma_start3A_525 = arith.constant 250 : i32
        %dma_start3A_526 = arith.constant 0 : i32
        %dma_start3A_527 = tpu.memref_slice %arg6[%dma_start3A_525, %dma_start3A_526] : memref<400x64xf32, #tpu.memory_space<vmem>> -> memref<50x64xf32, #tpu.memory_space<vmem>>
        %dma_start3A_528 = arith.constant 0 : i32
        %dma_start3A_529 = tpu.memref_slice %arg4[%mul3A_524, %dma_start3A_528] : memref<917504x128xf32, #tpu.memory_space<hbm>> -> memref<50x64xf32, #tpu.memory_space<hbm>>
        %dma_start3A_530 = arith.constant 0 : i32
        %dma_start3A_531 = tpu.memref_slice %arg4[%mul3A_524, %dma_start3A_530] : memref<917504x128xf32, #tpu.memory_space<hbm>> -> memref<50x64xf32, #tpu.memory_space<hbm>>
        %dma_start3A_532 = arith.constant 250 : i32
        %dma_start3A_533 = arith.constant 0 : i32
        %dma_start3A_534 = tpu.memref_slice %arg6[%dma_start3A_532, %dma_start3A_533] : memref<400x64xf32, #tpu.memory_space<vmem>> -> memref<50x64xf32, #tpu.memory_space<vmem>>
        tpu.enqueue_dma source(%dma_start3A_534 : memref<50x64xf32, #tpu.memory_space<vmem>>) target(%dma_start3A_531 : memref<50x64xf32, #tpu.memory_space<hbm>>) target_semaphore(%arg12 : memref<!tpu.dma_semaphore, #tpu.memory_space<semaphore_mem>>)
        %mul3A_535 = arith.constant 8 : i32
        %mul3A_536 = arith.muli %add3A_406, %mul3A_535 : i32
        %add3A_537 = arith.addi %mul3A_4, %mul3A_536 : i32
        %add3A_538 = arith.constant 6 : i32
        %add3A_539 = arith.addi %add3A_537, %add3A_538 : i32
        %mul3A_540 = arith.constant 56 : i32
        %mul3A_541 = arith.muli %add3A_539, %mul3A_540 : i32
        %dma_start3A_542 = arith.constant 300 : i32
        %dma_start3A_543 = arith.constant 0 : i32
        %dma_start3A_544 = tpu.memref_slice %arg6[%dma_start3A_542, %dma_start3A_543] : memref<400x64xf32, #tpu.memory_space<vmem>> -> memref<50x64xf32, #tpu.memory_space<vmem>>
        %dma_start3A_545 = arith.constant 0 : i32
        %dma_start3A_546 = tpu.memref_slice %arg4[%mul3A_541, %dma_start3A_545] : memref<917504x128xf32, #tpu.memory_space<hbm>> -> memref<50x64xf32, #tpu.memory_space<hbm>>
        %dma_start3A_547 = arith.constant 0 : i32
        %dma_start3A_548 = tpu.memref_slice %arg4[%mul3A_541, %dma_start3A_547] : memref<917504x128xf32, #tpu.memory_space<hbm>> -> memref<50x64xf32, #tpu.memory_space<hbm>>
        %dma_start3A_549 = arith.constant 300 : i32
        %dma_start3A_550 = arith.constant 0 : i32
        %dma_start3A_551 = tpu.memref_slice %arg6[%dma_start3A_549, %dma_start3A_550] : memref<400x64xf32, #tpu.memory_space<vmem>> -> memref<50x64xf32, #tpu.memory_space<vmem>>
        tpu.enqueue_dma source(%dma_start3A_551 : memref<50x64xf32, #tpu.memory_space<vmem>>) target(%dma_start3A_548 : memref<50x64xf32, #tpu.memory_space<hbm>>) target_semaphore(%arg12 : memref<!tpu.dma_semaphore, #tpu.memory_space<semaphore_mem>>)
        %mul3A_552 = arith.constant 8 : i32
        %mul3A_553 = arith.muli %add3A_406, %mul3A_552 : i32
        %add3A_554 = arith.addi %mul3A_4, %mul3A_553 : i32
        %add3A_555 = arith.constant 7 : i32
        %add3A_556 = arith.addi %add3A_554, %add3A_555 : i32
        %mul3A_557 = arith.constant 56 : i32
        %mul3A_558 = arith.muli %add3A_556, %mul3A_557 : i32
        %dma_start3A_559 = arith.constant 350 : i32
        %dma_start3A_560 = arith.constant 0 : i32
        %dma_start3A_561 = tpu.memref_slice %arg6[%dma_start3A_559, %dma_start3A_560] : memref<400x64xf32, #tpu.memory_space<vmem>> -> memref<50x64xf32, #tpu.memory_space<vmem>>
        %dma_start3A_562 = arith.constant 0 : i32
        %dma_start3A_563 = tpu.memref_slice %arg4[%mul3A_558, %dma_start3A_562] : memref<917504x128xf32, #tpu.memory_space<hbm>> -> memref<50x64xf32, #tpu.memory_space<hbm>>
        %dma_start3A_564 = arith.constant 0 : i32
        %dma_start3A_565 = tpu.memref_slice %arg4[%mul3A_558, %dma_start3A_564] : memref<917504x128xf32, #tpu.memory_space<hbm>> -> memref<50x64xf32, #tpu.memory_space<hbm>>
        %dma_start3A_566 = arith.constant 350 : i32
        %dma_start3A_567 = arith.constant 0 : i32
        %dma_start3A_568 = tpu.memref_slice %arg6[%dma_start3A_566, %dma_start3A_567] : memref<400x64xf32, #tpu.memory_space<vmem>> -> memref<50x64xf32, #tpu.memory_space<vmem>>
        tpu.enqueue_dma source(%dma_start3A_568 : memref<50x64xf32, #tpu.memory_space<vmem>>) target(%dma_start3A_565 : memref<50x64xf32, #tpu.memory_space<hbm>>) target_semaphore(%arg12 : memref<!tpu.dma_semaphore, #tpu.memory_space<semaphore_mem>>)
        %add3A_569 = arith.constant 3 : i32
        %add3A_570 = arith.addi %add3A_406, %add3A_569 : i32
        %sub3A = arith.constant 1 : i32
        %sub3A_571 = arith.subi %add3A_570, %sub3A : i32
        %lt3A_572 = arith.constant 64 : i32
        %lt3A_573 = arith.cmpi slt, %sub3A_571, %lt3A_572 : i32
        %convert_element_type3A_574 = arith.extui %lt3A_573 : i1 to i32
        %cond3A_575 = arith.constant 0 : i32
        %cond3A_576 = arith.cmpi ne, %convert_element_type3A_574, %cond3A_575 : i32
        scf.if %cond3A_576 {
          %ge3A = arith.constant 1 : i32
          %ge3A_577 = arith.cmpi sge, %add3A_406, %ge3A : i32
          %convert_element_type3A_578 = arith.extui %ge3A_577 : i1 to i32
          %cond3A_579 = arith.constant 0 : i32
          %cond3A_580 = arith.cmpi ne, %convert_element_type3A_578, %cond3A_579 : i32
          scf.if %cond3A_580 {
            %sub3A_587 = arith.constant 1 : i32
            %sub3A_588 = arith.subi %add3A_406, %sub3A_587 : i32
            %mul3A_589 = arith.constant 8 : i32
            %mul3A_590 = arith.muli %sub3A_588, %mul3A_589 : i32
            %add3A_591 = arith.addi %mul3A_4, %mul3A_590 : i32
            %add3A_592 = arith.constant 0 : i32
            %add3A_593 = arith.addi %add3A_591, %add3A_592 : i32
            %mul3A_594 = arith.constant 56 : i32
            %mul3A_595 = arith.muli %add3A_593, %mul3A_594 : i32
            %dma_wait3A_596 = arith.constant 0 : i32
            %dma_wait3A_597 = arith.constant 0 : i32
            %dma_wait3A_598 = tpu.memref_slice %arg8[%dma_wait3A_596, %dma_wait3A_597] : memref<400x64xf32, #tpu.memory_space<vmem>> -> memref<50x64xf32, #tpu.memory_space<vmem>>
            %dma_wait3A_599 = arith.constant 0 : i32
            %dma_wait3A_600 = tpu.memref_slice %arg4[%mul3A_595, %dma_wait3A_599] : memref<917504x128xf32, #tpu.memory_space<hbm>> -> memref<50x64xf32, #tpu.memory_space<hbm>>
            %dma_wait3A_601 = arith.constant 0 : i32
            %dma_wait3A_602 = tpu.memref_slice %arg4[%mul3A_595, %dma_wait3A_601] : memref<917504x128xf32, #tpu.memory_space<hbm>> -> memref<50x64xf32, #tpu.memory_space<hbm>>
            %dma_wait3A_603 = arith.constant 0 : i32
            %dma_wait3A_604 = arith.constant 0 : i32
            %dma_wait3A_605 = tpu.memref_slice %arg8[%dma_wait3A_603, %dma_wait3A_604] : memref<400x64xf32, #tpu.memory_space<vmem>> -> memref<50x64xf32, #tpu.memory_space<vmem>>
            tpu.wait_dma2 semaphore(%arg14 : memref<!tpu.dma_semaphore, #tpu.memory_space<semaphore_mem>>) src(%dma_wait3A_605 : memref<50x64xf32, #tpu.memory_space<vmem>>) dst(%dma_wait3A_602 : memref<50x64xf32, #tpu.memory_space<hbm>>)
            %mul3A_606 = arith.constant 8 : i32
            %mul3A_607 = arith.muli %sub3A_588, %mul3A_606 : i32
            %add3A_608 = arith.addi %mul3A_4, %mul3A_607 : i32
            %add3A_609 = arith.constant 1 : i32
            %add3A_610 = arith.addi %add3A_608, %add3A_609 : i32
            %mul3A_611 = arith.constant 56 : i32
            %mul3A_612 = arith.muli %add3A_610, %mul3A_611 : i32
            %dma_wait3A_613 = arith.constant 50 : i32
            %dma_wait3A_614 = arith.constant 0 : i32
            %dma_wait3A_615 = tpu.memref_slice %arg8[%dma_wait3A_613, %dma_wait3A_614] : memref<400x64xf32, #tpu.memory_space<vmem>> -> memref<50x64xf32, #tpu.memory_space<vmem>>
            %dma_wait3A_616 = arith.constant 0 : i32
            %dma_wait3A_617 = tpu.memref_slice %arg4[%mul3A_612, %dma_wait3A_616] : memref<917504x128xf32, #tpu.memory_space<hbm>> -> memref<50x64xf32, #tpu.memory_space<hbm>>
            %dma_wait3A_618 = arith.constant 0 : i32
            %dma_wait3A_619 = tpu.memref_slice %arg4[%mul3A_612, %dma_wait3A_618] : memref<917504x128xf32, #tpu.memory_space<hbm>> -> memref<50x64xf32, #tpu.memory_space<hbm>>
            %dma_wait3A_620 = arith.constant 50 : i32
            %dma_wait3A_621 = arith.constant 0 : i32
            %dma_wait3A_622 = tpu.memref_slice %arg8[%dma_wait3A_620, %dma_wait3A_621] : memref<400x64xf32, #tpu.memory_space<vmem>> -> memref<50x64xf32, #tpu.memory_space<vmem>>
            tpu.wait_dma2 semaphore(%arg14 : memref<!tpu.dma_semaphore, #tpu.memory_space<semaphore_mem>>) src(%dma_wait3A_622 : memref<50x64xf32, #tpu.memory_space<vmem>>) dst(%dma_wait3A_619 : memref<50x64xf32, #tpu.memory_space<hbm>>)
            %mul3A_623 = arith.constant 8 : i32
            %mul3A_624 = arith.muli %sub3A_588, %mul3A_623 : i32
            %add3A_625 = arith.addi %mul3A_4, %mul3A_624 : i32
            %add3A_626 = arith.constant 2 : i32
            %add3A_627 = arith.addi %add3A_625, %add3A_626 : i32
            %mul3A_628 = arith.constant 56 : i32
            %mul3A_629 = arith.muli %add3A_627, %mul3A_628 : i32
            %dma_wait3A_630 = arith.constant 100 : i32
            %dma_wait3A_631 = arith.constant 0 : i32
            %dma_wait3A_632 = tpu.memref_slice %arg8[%dma_wait3A_630, %dma_wait3A_631] : memref<400x64xf32, #tpu.memory_space<vmem>> -> memref<50x64xf32, #tpu.memory_space<vmem>>
            %dma_wait3A_633 = arith.constant 0 : i32
            %dma_wait3A_634 = tpu.memref_slice %arg4[%mul3A_629, %dma_wait3A_633] : memref<917504x128xf32, #tpu.memory_space<hbm>> -> memref<50x64xf32, #tpu.memory_space<hbm>>
            %dma_wait3A_635 = arith.constant 0 : i32
            %dma_wait3A_636 = tpu.memref_slice %arg4[%mul3A_629, %dma_wait3A_635] : memref<917504x128xf32, #tpu.memory_space<hbm>> -> memref<50x64xf32, #tpu.memory_space<hbm>>
            %dma_wait3A_637 = arith.constant 100 : i32
            %dma_wait3A_638 = arith.constant 0 : i32
            %dma_wait3A_639 = tpu.memref_slice %arg8[%dma_wait3A_637, %dma_wait3A_638] : memref<400x64xf32, #tpu.memory_space<vmem>> -> memref<50x64xf32, #tpu.memory_space<vmem>>
            tpu.wait_dma2 semaphore(%arg14 : memref<!tpu.dma_semaphore, #tpu.memory_space<semaphore_mem>>) src(%dma_wait3A_639 : memref<50x64xf32, #tpu.memory_space<vmem>>) dst(%dma_wait3A_636 : memref<50x64xf32, #tpu.memory_space<hbm>>)
            %mul3A_640 = arith.constant 8 : i32
            %mul3A_641 = arith.muli %sub3A_588, %mul3A_640 : i32
            %add3A_642 = arith.addi %mul3A_4, %mul3A_641 : i32
            %add3A_643 = arith.constant 3 : i32
            %add3A_644 = arith.addi %add3A_642, %add3A_643 : i32
            %mul3A_645 = arith.constant 56 : i32
            %mul3A_646 = arith.muli %add3A_644, %mul3A_645 : i32
            %dma_wait3A_647 = arith.constant 150 : i32
            %dma_wait3A_648 = arith.constant 0 : i32
            %dma_wait3A_649 = tpu.memref_slice %arg8[%dma_wait3A_647, %dma_wait3A_648] : memref<400x64xf32, #tpu.memory_space<vmem>> -> memref<50x64xf32, #tpu.memory_space<vmem>>
            %dma_wait3A_650 = arith.constant 0 : i32
            %dma_wait3A_651 = tpu.memref_slice %arg4[%mul3A_646, %dma_wait3A_650] : memref<917504x128xf32, #tpu.memory_space<hbm>> -> memref<50x64xf32, #tpu.memory_space<hbm>>
            %dma_wait3A_652 = arith.constant 0 : i32
            %dma_wait3A_653 = tpu.memref_slice %arg4[%mul3A_646, %dma_wait3A_652] : memref<917504x128xf32, #tpu.memory_space<hbm>> -> memref<50x64xf32, #tpu.memory_space<hbm>>
            %dma_wait3A_654 = arith.constant 150 : i32
            %dma_wait3A_655 = arith.constant 0 : i32
            %dma_wait3A_656 = tpu.memref_slice %arg8[%dma_wait3A_654, %dma_wait3A_655] : memref<400x64xf32, #tpu.memory_space<vmem>> -> memref<50x64xf32, #tpu.memory_space<vmem>>
            tpu.wait_dma2 semaphore(%arg14 : memref<!tpu.dma_semaphore, #tpu.memory_space<semaphore_mem>>) src(%dma_wait3A_656 : memref<50x64xf32, #tpu.memory_space<vmem>>) dst(%dma_wait3A_653 : memref<50x64xf32, #tpu.memory_space<hbm>>)
            %mul3A_657 = arith.constant 8 : i32
            %mul3A_658 = arith.muli %sub3A_588, %mul3A_657 : i32
            %add3A_659 = arith.addi %mul3A_4, %mul3A_658 : i32
            %add3A_660 = arith.constant 4 : i32
            %add3A_661 = arith.addi %add3A_659, %add3A_660 : i32
            %mul3A_662 = arith.constant 56 : i32
            %mul3A_663 = arith.muli %add3A_661, %mul3A_662 : i32
            %dma_wait3A_664 = arith.constant 200 : i32
            %dma_wait3A_665 = arith.constant 0 : i32
            %dma_wait3A_666 = tpu.memref_slice %arg8[%dma_wait3A_664, %dma_wait3A_665] : memref<400x64xf32, #tpu.memory_space<vmem>> -> memref<50x64xf32, #tpu.memory_space<vmem>>
            %dma_wait3A_667 = arith.constant 0 : i32
            %dma_wait3A_668 = tpu.memref_slice %arg4[%mul3A_663, %dma_wait3A_667] : memref<917504x128xf32, #tpu.memory_space<hbm>> -> memref<50x64xf32, #tpu.memory_space<hbm>>
            %dma_wait3A_669 = arith.constant 0 : i32
            %dma_wait3A_670 = tpu.memref_slice %arg4[%mul3A_663, %dma_wait3A_669] : memref<917504x128xf32, #tpu.memory_space<hbm>> -> memref<50x64xf32, #tpu.memory_space<hbm>>
            %dma_wait3A_671 = arith.constant 200 : i32
            %dma_wait3A_672 = arith.constant 0 : i32
            %dma_wait3A_673 = tpu.memref_slice %arg8[%dma_wait3A_671, %dma_wait3A_672] : memref<400x64xf32, #tpu.memory_space<vmem>> -> memref<50x64xf32, #tpu.memory_space<vmem>>
            tpu.wait_dma2 semaphore(%arg14 : memref<!tpu.dma_semaphore, #tpu.memory_space<semaphore_mem>>) src(%dma_wait3A_673 : memref<50x64xf32, #tpu.memory_space<vmem>>) dst(%dma_wait3A_670 : memref<50x64xf32, #tpu.memory_space<hbm>>)
            %mul3A_674 = arith.constant 8 : i32
            %mul3A_675 = arith.muli %sub3A_588, %mul3A_674 : i32
            %add3A_676 = arith.addi %mul3A_4, %mul3A_675 : i32
            %add3A_677 = arith.constant 5 : i32
            %add3A_678 = arith.addi %add3A_676, %add3A_677 : i32
            %mul3A_679 = arith.constant 56 : i32
            %mul3A_680 = arith.muli %add3A_678, %mul3A_679 : i32
            %dma_wait3A_681 = arith.constant 250 : i32
            %dma_wait3A_682 = arith.constant 0 : i32
            %dma_wait3A_683 = tpu.memref_slice %arg8[%dma_wait3A_681, %dma_wait3A_682] : memref<400x64xf32, #tpu.memory_space<vmem>> -> memref<50x64xf32, #tpu.memory_space<vmem>>
            %dma_wait3A_684 = arith.constant 0 : i32
            %dma_wait3A_685 = tpu.memref_slice %arg4[%mul3A_680, %dma_wait3A_684] : memref<917504x128xf32, #tpu.memory_space<hbm>> -> memref<50x64xf32, #tpu.memory_space<hbm>>
            %dma_wait3A_686 = arith.constant 0 : i32
            %dma_wait3A_687 = tpu.memref_slice %arg4[%mul3A_680, %dma_wait3A_686] : memref<917504x128xf32, #tpu.memory_space<hbm>> -> memref<50x64xf32, #tpu.memory_space<hbm>>
            %dma_wait3A_688 = arith.constant 250 : i32
            %dma_wait3A_689 = arith.constant 0 : i32
            %dma_wait3A_690 = tpu.memref_slice %arg8[%dma_wait3A_688, %dma_wait3A_689] : memref<400x64xf32, #tpu.memory_space<vmem>> -> memref<50x64xf32, #tpu.memory_space<vmem>>
            tpu.wait_dma2 semaphore(%arg14 : memref<!tpu.dma_semaphore, #tpu.memory_space<semaphore_mem>>) src(%dma_wait3A_690 : memref<50x64xf32, #tpu.memory_space<vmem>>) dst(%dma_wait3A_687 : memref<50x64xf32, #tpu.memory_space<hbm>>)
            %mul3A_691 = arith.constant 8 : i32
            %mul3A_692 = arith.muli %sub3A_588, %mul3A_691 : i32
            %add3A_693 = arith.addi %mul3A_4, %mul3A_692 : i32
            %add3A_694 = arith.constant 6 : i32
            %add3A_695 = arith.addi %add3A_693, %add3A_694 : i32
            %mul3A_696 = arith.constant 56 : i32
            %mul3A_697 = arith.muli %add3A_695, %mul3A_696 : i32
            %dma_wait3A_698 = arith.constant 300 : i32
            %dma_wait3A_699 = arith.constant 0 : i32
            %dma_wait3A_700 = tpu.memref_slice %arg8[%dma_wait3A_698, %dma_wait3A_699] : memref<400x64xf32, #tpu.memory_space<vmem>> -> memref<50x64xf32, #tpu.memory_space<vmem>>
            %dma_wait3A_701 = arith.constant 0 : i32
            %dma_wait3A_702 = tpu.memref_slice %arg4[%mul3A_697, %dma_wait3A_701] : memref<917504x128xf32, #tpu.memory_space<hbm>> -> memref<50x64xf32, #tpu.memory_space<hbm>>
            %dma_wait3A_703 = arith.constant 0 : i32
            %dma_wait3A_704 = tpu.memref_slice %arg4[%mul3A_697, %dma_wait3A_703] : memref<917504x128xf32, #tpu.memory_space<hbm>> -> memref<50x64xf32, #tpu.memory_space<hbm>>
            %dma_wait3A_705 = arith.constant 300 : i32
            %dma_wait3A_706 = arith.constant 0 : i32
            %dma_wait3A_707 = tpu.memref_slice %arg8[%dma_wait3A_705, %dma_wait3A_706] : memref<400x64xf32, #tpu.memory_space<vmem>> -> memref<50x64xf32, #tpu.memory_space<vmem>>
            tpu.wait_dma2 semaphore(%arg14 : memref<!tpu.dma_semaphore, #tpu.memory_space<semaphore_mem>>) src(%dma_wait3A_707 : memref<50x64xf32, #tpu.memory_space<vmem>>) dst(%dma_wait3A_704 : memref<50x64xf32, #tpu.memory_space<hbm>>)
            %mul3A_708 = arith.constant 8 : i32
            %mul3A_709 = arith.muli %sub3A_588, %mul3A_708 : i32
            %add3A_710 = arith.addi %mul3A_4, %mul3A_709 : i32
            %add3A_711 = arith.constant 7 : i32
            %add3A_712 = arith.addi %add3A_710, %add3A_711 : i32
            %mul3A_713 = arith.constant 56 : i32
            %mul3A_714 = arith.muli %add3A_712, %mul3A_713 : i32
            %dma_wait3A_715 = arith.constant 350 : i32
            %dma_wait3A_716 = arith.constant 0 : i32
            %dma_wait3A_717 = tpu.memref_slice %arg8[%dma_wait3A_715, %dma_wait3A_716] : memref<400x64xf32, #tpu.memory_space<vmem>> -> memref<50x64xf32, #tpu.memory_space<vmem>>
            %dma_wait3A_718 = arith.constant 0 : i32
            %dma_wait3A_719 = tpu.memref_slice %arg4[%mul3A_714, %dma_wait3A_718] : memref<917504x128xf32, #tpu.memory_space<hbm>> -> memref<50x64xf32, #tpu.memory_space<hbm>>
            %dma_wait3A_720 = arith.constant 0 : i32
            %dma_wait3A_721 = tpu.memref_slice %arg4[%mul3A_714, %dma_wait3A_720] : memref<917504x128xf32, #tpu.memory_space<hbm>> -> memref<50x64xf32, #tpu.memory_space<hbm>>
            %dma_wait3A_722 = arith.constant 350 : i32
            %dma_wait3A_723 = arith.constant 0 : i32
            %dma_wait3A_724 = tpu.memref_slice %arg8[%dma_wait3A_722, %dma_wait3A_723] : memref<400x64xf32, #tpu.memory_space<vmem>> -> memref<50x64xf32, #tpu.memory_space<vmem>>
            tpu.wait_dma2 semaphore(%arg14 : memref<!tpu.dma_semaphore, #tpu.memory_space<semaphore_mem>>) src(%dma_wait3A_724 : memref<50x64xf32, #tpu.memory_space<vmem>>) dst(%dma_wait3A_721 : memref<50x64xf32, #tpu.memory_space<hbm>>)
          } else {
          }
          %mul3A_581 = arith.constant 400 : i32
          %mul3A_582 = arith.muli %sub3A_571, %mul3A_581 : i32
          %dma_start3A_583 = tpu.memref_slice %arg5[%mul3A_582] : memref<25600xi32, #tpu.memory_space<vmem>> -> memref<400xi32, #tpu.memory_space<vmem>>
          %dma_start3A_584 = arith.constant 0 : i32
          %dma_start3A_585 = arith.constant 0 : i32
          %dma_start3A_586 = tpu.memref_slice %arg2[%dma_start3A_584, %dma_start3A_585] : memref<2000000x64xf32, #tpu.memory_space<hbm>> -> memref<2000000x64xf32, #tpu.memory_space<hbm>>
          tpu.enqueue_indirect_dma source(%dma_start3A_586 : memref<2000000x64xf32, #tpu.memory_space<hbm>>) target(%arg8 : memref<400x64xf32, #tpu.memory_space<vmem>>) offsets(%dma_start3A_583 : memref<400xi32, #tpu.memory_space<vmem>>) semaphore(%arg11 : memref<!tpu.dma_semaphore, #tpu.memory_space<semaphore_mem>>)
        } else {
        }
      } else {
      }
      %mul3A_409 = arith.constant 3 : i32
      %mul3A_410 = arith.muli %scan3A_402, %mul3A_409 : i32
      %add3A_411 = arith.constant 1 : i32
      %add3A_412 = arith.addi %mul3A_410, %add3A_411 : i32
      %lt3A_413 = arith.constant 64 : i32
      %lt3A_414 = arith.cmpi slt, %add3A_412, %lt3A_413 : i32
      %convert_element_type3A_415 = arith.extui %lt3A_414 : i1 to i32
      %cond3A_416 = arith.constant 0 : i32
      %cond3A_417 = arith.cmpi ne, %convert_element_type3A_415, %cond3A_416 : i32
      scf.if %cond3A_417 {
        %mul3A_427 = arith.constant 400 : i32
        %mul3A_428 = arith.muli %add3A_412, %mul3A_427 : i32
        %dma_wait3A_429 = tpu.memref_slice %arg5[%mul3A_428] : memref<25600xi32, #tpu.memory_space<vmem>> -> memref<400xi32, #tpu.memory_space<vmem>>
        %dma_wait3A_430 = arith.constant 0 : i32
        %dma_wait3A_431 = arith.constant 0 : i32
        %dma_wait3A_432 = tpu.memref_slice %arg2[%dma_wait3A_430, %dma_wait3A_431] : memref<2000000x64xf32, #tpu.memory_space<hbm>> -> memref<2000000x64xf32, #tpu.memory_space<hbm>>
        tpu.wait_indirect_dma semaphore(%arg10 : memref<!tpu.dma_semaphore, #tpu.memory_space<semaphore_mem>>) src(%dma_wait3A_432 : memref<2000000x64xf32, #tpu.memory_space<hbm>>) dst(%arg7 : memref<400x64xf32, #tpu.memory_space<vmem>>)
        %mul3A_433 = arith.constant 8 : i32
        %mul3A_434 = arith.muli %add3A_412, %mul3A_433 : i32
        %add3A_435 = arith.addi %mul3A_4, %mul3A_434 : i32
        %add3A_436 = arith.constant 0 : i32
        %add3A_437 = arith.addi %add3A_435, %add3A_436 : i32
        %mul3A_438 = arith.constant 56 : i32
        %mul3A_439 = arith.muli %add3A_437, %mul3A_438 : i32
        %dma_start3A_440 = arith.constant 0 : i32
        %dma_start3A_441 = arith.constant 0 : i32
        %dma_start3A_442 = tpu.memref_slice %arg7[%dma_start3A_440, %dma_start3A_441] : memref<400x64xf32, #tpu.memory_space<vmem>> -> memref<50x64xf32, #tpu.memory_space<vmem>>
        %dma_start3A_443 = arith.constant 0 : i32
        %dma_start3A_444 = tpu.memref_slice %arg4[%mul3A_439, %dma_start3A_443] : memref<917504x128xf32, #tpu.memory_space<hbm>> -> memref<50x64xf32, #tpu.memory_space<hbm>>
        %dma_start3A_445 = arith.constant 0 : i32
        %dma_start3A_446 = tpu.memref_slice %arg4[%mul3A_439, %dma_start3A_445] : memref<917504x128xf32, #tpu.memory_space<hbm>> -> memref<50x64xf32, #tpu.memory_space<hbm>>
        %dma_start3A_447 = arith.constant 0 : i32
        %dma_start3A_448 = arith.constant 0 : i32
        %dma_start3A_449 = tpu.memref_slice %arg7[%dma_start3A_447, %dma_start3A_448] : memref<400x64xf32, #tpu.memory_space<vmem>> -> memref<50x64xf32, #tpu.memory_space<vmem>>
        tpu.enqueue_dma source(%dma_start3A_449 : memref<50x64xf32, #tpu.memory_space<vmem>>) target(%dma_start3A_446 : memref<50x64xf32, #tpu.memory_space<hbm>>) target_semaphore(%arg13 : memref<!tpu.dma_semaphore, #tpu.memory_space<semaphore_mem>>)
        %mul3A_450 = arith.constant 8 : i32
        %mul3A_451 = arith.muli %add3A_412, %mul3A_450 : i32
        %add3A_452 = arith.addi %mul3A_4, %mul3A_451 : i32
        %add3A_453 = arith.constant 1 : i32
        %add3A_454 = arith.addi %add3A_452, %add3A_453 : i32
        %mul3A_455 = arith.constant 56 : i32
        %mul3A_456 = arith.muli %add3A_454, %mul3A_455 : i32
        %dma_start3A_457 = arith.constant 50 : i32
        %dma_start3A_458 = arith.constant 0 : i32
        %dma_start3A_459 = tpu.memref_slice %arg7[%dma_start3A_457, %dma_start3A_458] : memref<400x64xf32, #tpu.memory_space<vmem>> -> memref<50x64xf32, #tpu.memory_space<vmem>>
        %dma_start3A_460 = arith.constant 0 : i32
        %dma_start3A_461 = tpu.memref_slice %arg4[%mul3A_456, %dma_start3A_460] : memref<917504x128xf32, #tpu.memory_space<hbm>> -> memref<50x64xf32, #tpu.memory_space<hbm>>
        %dma_start3A_462 = arith.constant 0 : i32
        %dma_start3A_463 = tpu.memref_slice %arg4[%mul3A_456, %dma_start3A_462] : memref<917504x128xf32, #tpu.memory_space<hbm>> -> memref<50x64xf32, #tpu.memory_space<hbm>>
        %dma_start3A_464 = arith.constant 50 : i32
        %dma_start3A_465 = arith.constant 0 : i32
        %dma_start3A_466 = tpu.memref_slice %arg7[%dma_start3A_464, %dma_start3A_465] : memref<400x64xf32, #tpu.memory_space<vmem>> -> memref<50x64xf32, #tpu.memory_space<vmem>>
        tpu.enqueue_dma source(%dma_start3A_466 : memref<50x64xf32, #tpu.memory_space<vmem>>) target(%dma_start3A_463 : memref<50x64xf32, #tpu.memory_space<hbm>>) target_semaphore(%arg13 : memref<!tpu.dma_semaphore, #tpu.memory_space<semaphore_mem>>)
        %mul3A_467 = arith.constant 8 : i32
        %mul3A_468 = arith.muli %add3A_412, %mul3A_467 : i32
        %add3A_469 = arith.addi %mul3A_4, %mul3A_468 : i32
        %add3A_470 = arith.constant 2 : i32
        %add3A_471 = arith.addi %add3A_469, %add3A_470 : i32
        %mul3A_472 = arith.constant 56 : i32
        %mul3A_473 = arith.muli %add3A_471, %mul3A_472 : i32
        %dma_start3A_474 = arith.constant 100 : i32
        %dma_start3A_475 = arith.constant 0 : i32
        %dma_start3A_476 = tpu.memref_slice %arg7[%dma_start3A_474, %dma_start3A_475] : memref<400x64xf32, #tpu.memory_space<vmem>> -> memref<50x64xf32, #tpu.memory_space<vmem>>
        %dma_start3A_477 = arith.constant 0 : i32
        %dma_start3A_478 = tpu.memref_slice %arg4[%mul3A_473, %dma_start3A_477] : memref<917504x128xf32, #tpu.memory_space<hbm>> -> memref<50x64xf32, #tpu.memory_space<hbm>>
        %dma_start3A_479 = arith.constant 0 : i32
        %dma_start3A_480 = tpu.memref_slice %arg4[%mul3A_473, %dma_start3A_479] : memref<917504x128xf32, #tpu.memory_space<hbm>> -> memref<50x64xf32, #tpu.memory_space<hbm>>
        %dma_start3A_481 = arith.constant 100 : i32
        %dma_start3A_482 = arith.constant 0 : i32
        %dma_start3A_483 = tpu.memref_slice %arg7[%dma_start3A_481, %dma_start3A_482] : memref<400x64xf32, #tpu.memory_space<vmem>> -> memref<50x64xf32, #tpu.memory_space<vmem>>
        tpu.enqueue_dma source(%dma_start3A_483 : memref<50x64xf32, #tpu.memory_space<vmem>>) target(%dma_start3A_480 : memref<50x64xf32, #tpu.memory_space<hbm>>) target_semaphore(%arg13 : memref<!tpu.dma_semaphore, #tpu.memory_space<semaphore_mem>>)
        %mul3A_484 = arith.constant 8 : i32
        %mul3A_485 = arith.muli %add3A_412, %mul3A_484 : i32
        %add3A_486 = arith.addi %mul3A_4, %mul3A_485 : i32
        %add3A_487 = arith.constant 3 : i32
        %add3A_488 = arith.addi %add3A_486, %add3A_487 : i32
        %mul3A_489 = arith.constant 56 : i32
        %mul3A_490 = arith.muli %add3A_488, %mul3A_489 : i32
        %dma_start3A_491 = arith.constant 150 : i32
        %dma_start3A_492 = arith.constant 0 : i32
        %dma_start3A_493 = tpu.memref_slice %arg7[%dma_start3A_491, %dma_start3A_492] : memref<400x64xf32, #tpu.memory_space<vmem>> -> memref<50x64xf32, #tpu.memory_space<vmem>>
        %dma_start3A_494 = arith.constant 0 : i32
        %dma_start3A_495 = tpu.memref_slice %arg4[%mul3A_490, %dma_start3A_494] : memref<917504x128xf32, #tpu.memory_space<hbm>> -> memref<50x64xf32, #tpu.memory_space<hbm>>
        %dma_start3A_496 = arith.constant 0 : i32
        %dma_start3A_497 = tpu.memref_slice %arg4[%mul3A_490, %dma_start3A_496] : memref<917504x128xf32, #tpu.memory_space<hbm>> -> memref<50x64xf32, #tpu.memory_space<hbm>>
        %dma_start3A_498 = arith.constant 150 : i32
        %dma_start3A_499 = arith.constant 0 : i32
        %dma_start3A_500 = tpu.memref_slice %arg7[%dma_start3A_498, %dma_start3A_499] : memref<400x64xf32, #tpu.memory_space<vmem>> -> memref<50x64xf32, #tpu.memory_space<vmem>>
        tpu.enqueue_dma source(%dma_start3A_500 : memref<50x64xf32, #tpu.memory_space<vmem>>) target(%dma_start3A_497 : memref<50x64xf32, #tpu.memory_space<hbm>>) target_semaphore(%arg13 : memref<!tpu.dma_semaphore, #tpu.memory_space<semaphore_mem>>)
        %mul3A_501 = arith.constant 8 : i32
        %mul3A_502 = arith.muli %add3A_412, %mul3A_501 : i32
        %add3A_503 = arith.addi %mul3A_4, %mul3A_502 : i32
        %add3A_504 = arith.constant 4 : i32
        %add3A_505 = arith.addi %add3A_503, %add3A_504 : i32
        %mul3A_506 = arith.constant 56 : i32
        %mul3A_507 = arith.muli %add3A_505, %mul3A_506 : i32
        %dma_start3A_508 = arith.constant 200 : i32
        %dma_start3A_509 = arith.constant 0 : i32
        %dma_start3A_510 = tpu.memref_slice %arg7[%dma_start3A_508, %dma_start3A_509] : memref<400x64xf32, #tpu.memory_space<vmem>> -> memref<50x64xf32, #tpu.memory_space<vmem>>
        %dma_start3A_511 = arith.constant 0 : i32
        %dma_start3A_512 = tpu.memref_slice %arg4[%mul3A_507, %dma_start3A_511] : memref<917504x128xf32, #tpu.memory_space<hbm>> -> memref<50x64xf32, #tpu.memory_space<hbm>>
        %dma_start3A_513 = arith.constant 0 : i32
        %dma_start3A_514 = tpu.memref_slice %arg4[%mul3A_507, %dma_start3A_513] : memref<917504x128xf32, #tpu.memory_space<hbm>> -> memref<50x64xf32, #tpu.memory_space<hbm>>
        %dma_start3A_515 = arith.constant 200 : i32
        %dma_start3A_516 = arith.constant 0 : i32
        %dma_start3A_517 = tpu.memref_slice %arg7[%dma_start3A_515, %dma_start3A_516] : memref<400x64xf32, #tpu.memory_space<vmem>> -> memref<50x64xf32, #tpu.memory_space<vmem>>
        tpu.enqueue_dma source(%dma_start3A_517 : memref<50x64xf32, #tpu.memory_space<vmem>>) target(%dma_start3A_514 : memref<50x64xf32, #tpu.memory_space<hbm>>) target_semaphore(%arg13 : memref<!tpu.dma_semaphore, #tpu.memory_space<semaphore_mem>>)
        %mul3A_518 = arith.constant 8 : i32
        %mul3A_519 = arith.muli %add3A_412, %mul3A_518 : i32
        %add3A_520 = arith.addi %mul3A_4, %mul3A_519 : i32
        %add3A_521 = arith.constant 5 : i32
        %add3A_522 = arith.addi %add3A_520, %add3A_521 : i32
        %mul3A_523 = arith.constant 56 : i32
        %mul3A_524 = arith.muli %add3A_522, %mul3A_523 : i32
        %dma_start3A_525 = arith.constant 250 : i32
        %dma_start3A_526 = arith.constant 0 : i32
        %dma_start3A_527 = tpu.memref_slice %arg7[%dma_start3A_525, %dma_start3A_526] : memref<400x64xf32, #tpu.memory_space<vmem>> -> memref<50x64xf32, #tpu.memory_space<vmem>>
        %dma_start3A_528 = arith.constant 0 : i32
        %dma_start3A_529 = tpu.memref_slice %arg4[%mul3A_524, %dma_start3A_528] : memref<917504x128xf32, #tpu.memory_space<hbm>> -> memref<50x64xf32, #tpu.memory_space<hbm>>
        %dma_start3A_530 = arith.constant 0 : i32
        %dma_start3A_531 = tpu.memref_slice %arg4[%mul3A_524, %dma_start3A_530] : memref<917504x128xf32, #tpu.memory_space<hbm>> -> memref<50x64xf32, #tpu.memory_space<hbm>>
        %dma_start3A_532 = arith.constant 250 : i32
        %dma_start3A_533 = arith.constant 0 : i32
        %dma_start3A_534 = tpu.memref_slice %arg7[%dma_start3A_532, %dma_start3A_533] : memref<400x64xf32, #tpu.memory_space<vmem>> -> memref<50x64xf32, #tpu.memory_space<vmem>>
        tpu.enqueue_dma source(%dma_start3A_534 : memref<50x64xf32, #tpu.memory_space<vmem>>) target(%dma_start3A_531 : memref<50x64xf32, #tpu.memory_space<hbm>>) target_semaphore(%arg13 : memref<!tpu.dma_semaphore, #tpu.memory_space<semaphore_mem>>)
        %mul3A_535 = arith.constant 8 : i32
        %mul3A_536 = arith.muli %add3A_412, %mul3A_535 : i32
        %add3A_537 = arith.addi %mul3A_4, %mul3A_536 : i32
        %add3A_538 = arith.constant 6 : i32
        %add3A_539 = arith.addi %add3A_537, %add3A_538 : i32
        %mul3A_540 = arith.constant 56 : i32
        %mul3A_541 = arith.muli %add3A_539, %mul3A_540 : i32
        %dma_start3A_542 = arith.constant 300 : i32
        %dma_start3A_543 = arith.constant 0 : i32
        %dma_start3A_544 = tpu.memref_slice %arg7[%dma_start3A_542, %dma_start3A_543] : memref<400x64xf32, #tpu.memory_space<vmem>> -> memref<50x64xf32, #tpu.memory_space<vmem>>
        %dma_start3A_545 = arith.constant 0 : i32
        %dma_start3A_546 = tpu.memref_slice %arg4[%mul3A_541, %dma_start3A_545] : memref<917504x128xf32, #tpu.memory_space<hbm>> -> memref<50x64xf32, #tpu.memory_space<hbm>>
        %dma_start3A_547 = arith.constant 0 : i32
        %dma_start3A_548 = tpu.memref_slice %arg4[%mul3A_541, %dma_start3A_547] : memref<917504x128xf32, #tpu.memory_space<hbm>> -> memref<50x64xf32, #tpu.memory_space<hbm>>
        %dma_start3A_549 = arith.constant 300 : i32
        %dma_start3A_550 = arith.constant 0 : i32
        %dma_start3A_551 = tpu.memref_slice %arg7[%dma_start3A_549, %dma_start3A_550] : memref<400x64xf32, #tpu.memory_space<vmem>> -> memref<50x64xf32, #tpu.memory_space<vmem>>
        tpu.enqueue_dma source(%dma_start3A_551 : memref<50x64xf32, #tpu.memory_space<vmem>>) target(%dma_start3A_548 : memref<50x64xf32, #tpu.memory_space<hbm>>) target_semaphore(%arg13 : memref<!tpu.dma_semaphore, #tpu.memory_space<semaphore_mem>>)
        %mul3A_552 = arith.constant 8 : i32
        %mul3A_553 = arith.muli %add3A_412, %mul3A_552 : i32
        %add3A_554 = arith.addi %mul3A_4, %mul3A_553 : i32
        %add3A_555 = arith.constant 7 : i32
        %add3A_556 = arith.addi %add3A_554, %add3A_555 : i32
        %mul3A_557 = arith.constant 56 : i32
        %mul3A_558 = arith.muli %add3A_556, %mul3A_557 : i32
        %dma_start3A_559 = arith.constant 350 : i32
        %dma_start3A_560 = arith.constant 0 : i32
        %dma_start3A_561 = tpu.memref_slice %arg7[%dma_start3A_559, %dma_start3A_560] : memref<400x64xf32, #tpu.memory_space<vmem>> -> memref<50x64xf32, #tpu.memory_space<vmem>>
        %dma_start3A_562 = arith.constant 0 : i32
        %dma_start3A_563 = tpu.memref_slice %arg4[%mul3A_558, %dma_start3A_562] : memref<917504x128xf32, #tpu.memory_space<hbm>> -> memref<50x64xf32, #tpu.memory_space<hbm>>
        %dma_start3A_564 = arith.constant 0 : i32
        %dma_start3A_565 = tpu.memref_slice %arg4[%mul3A_558, %dma_start3A_564] : memref<917504x128xf32, #tpu.memory_space<hbm>> -> memref<50x64xf32, #tpu.memory_space<hbm>>
        %dma_start3A_566 = arith.constant 350 : i32
        %dma_start3A_567 = arith.constant 0 : i32
        %dma_start3A_568 = tpu.memref_slice %arg7[%dma_start3A_566, %dma_start3A_567] : memref<400x64xf32, #tpu.memory_space<vmem>> -> memref<50x64xf32, #tpu.memory_space<vmem>>
        tpu.enqueue_dma source(%dma_start3A_568 : memref<50x64xf32, #tpu.memory_space<vmem>>) target(%dma_start3A_565 : memref<50x64xf32, #tpu.memory_space<hbm>>) target_semaphore(%arg13 : memref<!tpu.dma_semaphore, #tpu.memory_space<semaphore_mem>>)
        %add3A_569 = arith.constant 3 : i32
        %add3A_570 = arith.addi %add3A_412, %add3A_569 : i32
        %sub3A = arith.constant 1 : i32
        %sub3A_571 = arith.subi %add3A_570, %sub3A : i32
        %lt3A_572 = arith.constant 64 : i32
        %lt3A_573 = arith.cmpi slt, %sub3A_571, %lt3A_572 : i32
        %convert_element_type3A_574 = arith.extui %lt3A_573 : i1 to i32
        %cond3A_575 = arith.constant 0 : i32
        %cond3A_576 = arith.cmpi ne, %convert_element_type3A_574, %cond3A_575 : i32
        scf.if %cond3A_576 {
          %ge3A = arith.constant 1 : i32
          %ge3A_577 = arith.cmpi sge, %add3A_412, %ge3A : i32
          %convert_element_type3A_578 = arith.extui %ge3A_577 : i1 to i32
          %cond3A_579 = arith.constant 0 : i32
          %cond3A_580 = arith.cmpi ne, %convert_element_type3A_578, %cond3A_579 : i32
          scf.if %cond3A_580 {
            %sub3A_587 = arith.constant 1 : i32
            %sub3A_588 = arith.subi %add3A_412, %sub3A_587 : i32
            %mul3A_589 = arith.constant 8 : i32
            %mul3A_590 = arith.muli %sub3A_588, %mul3A_589 : i32
            %add3A_591 = arith.addi %mul3A_4, %mul3A_590 : i32
            %add3A_592 = arith.constant 0 : i32
            %add3A_593 = arith.addi %add3A_591, %add3A_592 : i32
            %mul3A_594 = arith.constant 56 : i32
            %mul3A_595 = arith.muli %add3A_593, %mul3A_594 : i32
            %dma_wait3A_596 = arith.constant 0 : i32
            %dma_wait3A_597 = arith.constant 0 : i32
            %dma_wait3A_598 = tpu.memref_slice %arg6[%dma_wait3A_596, %dma_wait3A_597] : memref<400x64xf32, #tpu.memory_space<vmem>> -> memref<50x64xf32, #tpu.memory_space<vmem>>
            %dma_wait3A_599 = arith.constant 0 : i32
            %dma_wait3A_600 = tpu.memref_slice %arg4[%mul3A_595, %dma_wait3A_599] : memref<917504x128xf32, #tpu.memory_space<hbm>> -> memref<50x64xf32, #tpu.memory_space<hbm>>
            %dma_wait3A_601 = arith.constant 0 : i32
            %dma_wait3A_602 = tpu.memref_slice %arg4[%mul3A_595, %dma_wait3A_601] : memref<917504x128xf32, #tpu.memory_space<hbm>> -> memref<50x64xf32, #tpu.memory_space<hbm>>
            %dma_wait3A_603 = arith.constant 0 : i32
            %dma_wait3A_604 = arith.constant 0 : i32
            %dma_wait3A_605 = tpu.memref_slice %arg6[%dma_wait3A_603, %dma_wait3A_604] : memref<400x64xf32, #tpu.memory_space<vmem>> -> memref<50x64xf32, #tpu.memory_space<vmem>>
            tpu.wait_dma2 semaphore(%arg12 : memref<!tpu.dma_semaphore, #tpu.memory_space<semaphore_mem>>) src(%dma_wait3A_605 : memref<50x64xf32, #tpu.memory_space<vmem>>) dst(%dma_wait3A_602 : memref<50x64xf32, #tpu.memory_space<hbm>>)
            %mul3A_606 = arith.constant 8 : i32
            %mul3A_607 = arith.muli %sub3A_588, %mul3A_606 : i32
            %add3A_608 = arith.addi %mul3A_4, %mul3A_607 : i32
            %add3A_609 = arith.constant 1 : i32
            %add3A_610 = arith.addi %add3A_608, %add3A_609 : i32
            %mul3A_611 = arith.constant 56 : i32
            %mul3A_612 = arith.muli %add3A_610, %mul3A_611 : i32
            %dma_wait3A_613 = arith.constant 50 : i32
            %dma_wait3A_614 = arith.constant 0 : i32
            %dma_wait3A_615 = tpu.memref_slice %arg6[%dma_wait3A_613, %dma_wait3A_614] : memref<400x64xf32, #tpu.memory_space<vmem>> -> memref<50x64xf32, #tpu.memory_space<vmem>>
            %dma_wait3A_616 = arith.constant 0 : i32
            %dma_wait3A_617 = tpu.memref_slice %arg4[%mul3A_612, %dma_wait3A_616] : memref<917504x128xf32, #tpu.memory_space<hbm>> -> memref<50x64xf32, #tpu.memory_space<hbm>>
            %dma_wait3A_618 = arith.constant 0 : i32
            %dma_wait3A_619 = tpu.memref_slice %arg4[%mul3A_612, %dma_wait3A_618] : memref<917504x128xf32, #tpu.memory_space<hbm>> -> memref<50x64xf32, #tpu.memory_space<hbm>>
            %dma_wait3A_620 = arith.constant 50 : i32
            %dma_wait3A_621 = arith.constant 0 : i32
            %dma_wait3A_622 = tpu.memref_slice %arg6[%dma_wait3A_620, %dma_wait3A_621] : memref<400x64xf32, #tpu.memory_space<vmem>> -> memref<50x64xf32, #tpu.memory_space<vmem>>
            tpu.wait_dma2 semaphore(%arg12 : memref<!tpu.dma_semaphore, #tpu.memory_space<semaphore_mem>>) src(%dma_wait3A_622 : memref<50x64xf32, #tpu.memory_space<vmem>>) dst(%dma_wait3A_619 : memref<50x64xf32, #tpu.memory_space<hbm>>)
            %mul3A_623 = arith.constant 8 : i32
            %mul3A_624 = arith.muli %sub3A_588, %mul3A_623 : i32
            %add3A_625 = arith.addi %mul3A_4, %mul3A_624 : i32
            %add3A_626 = arith.constant 2 : i32
            %add3A_627 = arith.addi %add3A_625, %add3A_626 : i32
            %mul3A_628 = arith.constant 56 : i32
            %mul3A_629 = arith.muli %add3A_627, %mul3A_628 : i32
            %dma_wait3A_630 = arith.constant 100 : i32
            %dma_wait3A_631 = arith.constant 0 : i32
            %dma_wait3A_632 = tpu.memref_slice %arg6[%dma_wait3A_630, %dma_wait3A_631] : memref<400x64xf32, #tpu.memory_space<vmem>> -> memref<50x64xf32, #tpu.memory_space<vmem>>
            %dma_wait3A_633 = arith.constant 0 : i32
            %dma_wait3A_634 = tpu.memref_slice %arg4[%mul3A_629, %dma_wait3A_633] : memref<917504x128xf32, #tpu.memory_space<hbm>> -> memref<50x64xf32, #tpu.memory_space<hbm>>
            %dma_wait3A_635 = arith.constant 0 : i32
            %dma_wait3A_636 = tpu.memref_slice %arg4[%mul3A_629, %dma_wait3A_635] : memref<917504x128xf32, #tpu.memory_space<hbm>> -> memref<50x64xf32, #tpu.memory_space<hbm>>
            %dma_wait3A_637 = arith.constant 100 : i32
            %dma_wait3A_638 = arith.constant 0 : i32
            %dma_wait3A_639 = tpu.memref_slice %arg6[%dma_wait3A_637, %dma_wait3A_638] : memref<400x64xf32, #tpu.memory_space<vmem>> -> memref<50x64xf32, #tpu.memory_space<vmem>>
            tpu.wait_dma2 semaphore(%arg12 : memref<!tpu.dma_semaphore, #tpu.memory_space<semaphore_mem>>) src(%dma_wait3A_639 : memref<50x64xf32, #tpu.memory_space<vmem>>) dst(%dma_wait3A_636 : memref<50x64xf32, #tpu.memory_space<hbm>>)
            %mul3A_640 = arith.constant 8 : i32
            %mul3A_641 = arith.muli %sub3A_588, %mul3A_640 : i32
            %add3A_642 = arith.addi %mul3A_4, %mul3A_641 : i32
            %add3A_643 = arith.constant 3 : i32
            %add3A_644 = arith.addi %add3A_642, %add3A_643 : i32
            %mul3A_645 = arith.constant 56 : i32
            %mul3A_646 = arith.muli %add3A_644, %mul3A_645 : i32
            %dma_wait3A_647 = arith.constant 150 : i32
            %dma_wait3A_648 = arith.constant 0 : i32
            %dma_wait3A_649 = tpu.memref_slice %arg6[%dma_wait3A_647, %dma_wait3A_648] : memref<400x64xf32, #tpu.memory_space<vmem>> -> memref<50x64xf32, #tpu.memory_space<vmem>>
            %dma_wait3A_650 = arith.constant 0 : i32
            %dma_wait3A_651 = tpu.memref_slice %arg4[%mul3A_646, %dma_wait3A_650] : memref<917504x128xf32, #tpu.memory_space<hbm>> -> memref<50x64xf32, #tpu.memory_space<hbm>>
            %dma_wait3A_652 = arith.constant 0 : i32
            %dma_wait3A_653 = tpu.memref_slice %arg4[%mul3A_646, %dma_wait3A_652] : memref<917504x128xf32, #tpu.memory_space<hbm>> -> memref<50x64xf32, #tpu.memory_space<hbm>>
            %dma_wait3A_654 = arith.constant 150 : i32
            %dma_wait3A_655 = arith.constant 0 : i32
            %dma_wait3A_656 = tpu.memref_slice %arg6[%dma_wait3A_654, %dma_wait3A_655] : memref<400x64xf32, #tpu.memory_space<vmem>> -> memref<50x64xf32, #tpu.memory_space<vmem>>
            tpu.wait_dma2 semaphore(%arg12 : memref<!tpu.dma_semaphore, #tpu.memory_space<semaphore_mem>>) src(%dma_wait3A_656 : memref<50x64xf32, #tpu.memory_space<vmem>>) dst(%dma_wait3A_653 : memref<50x64xf32, #tpu.memory_space<hbm>>)
            %mul3A_657 = arith.constant 8 : i32
            %mul3A_658 = arith.muli %sub3A_588, %mul3A_657 : i32
            %add3A_659 = arith.addi %mul3A_4, %mul3A_658 : i32
            %add3A_660 = arith.constant 4 : i32
            %add3A_661 = arith.addi %add3A_659, %add3A_660 : i32
            %mul3A_662 = arith.constant 56 : i32
            %mul3A_663 = arith.muli %add3A_661, %mul3A_662 : i32
            %dma_wait3A_664 = arith.constant 200 : i32
            %dma_wait3A_665 = arith.constant 0 : i32
            %dma_wait3A_666 = tpu.memref_slice %arg6[%dma_wait3A_664, %dma_wait3A_665] : memref<400x64xf32, #tpu.memory_space<vmem>> -> memref<50x64xf32, #tpu.memory_space<vmem>>
            %dma_wait3A_667 = arith.constant 0 : i32
            %dma_wait3A_668 = tpu.memref_slice %arg4[%mul3A_663, %dma_wait3A_667] : memref<917504x128xf32, #tpu.memory_space<hbm>> -> memref<50x64xf32, #tpu.memory_space<hbm>>
            %dma_wait3A_669 = arith.constant 0 : i32
            %dma_wait3A_670 = tpu.memref_slice %arg4[%mul3A_663, %dma_wait3A_669] : memref<917504x128xf32, #tpu.memory_space<hbm>> -> memref<50x64xf32, #tpu.memory_space<hbm>>
            %dma_wait3A_671 = arith.constant 200 : i32
            %dma_wait3A_672 = arith.constant 0 : i32
            %dma_wait3A_673 = tpu.memref_slice %arg6[%dma_wait3A_671, %dma_wait3A_672] : memref<400x64xf32, #tpu.memory_space<vmem>> -> memref<50x64xf32, #tpu.memory_space<vmem>>
            tpu.wait_dma2 semaphore(%arg12 : memref<!tpu.dma_semaphore, #tpu.memory_space<semaphore_mem>>) src(%dma_wait3A_673 : memref<50x64xf32, #tpu.memory_space<vmem>>) dst(%dma_wait3A_670 : memref<50x64xf32, #tpu.memory_space<hbm>>)
            %mul3A_674 = arith.constant 8 : i32
            %mul3A_675 = arith.muli %sub3A_588, %mul3A_674 : i32
            %add3A_676 = arith.addi %mul3A_4, %mul3A_675 : i32
            %add3A_677 = arith.constant 5 : i32
            %add3A_678 = arith.addi %add3A_676, %add3A_677 : i32
            %mul3A_679 = arith.constant 56 : i32
            %mul3A_680 = arith.muli %add3A_678, %mul3A_679 : i32
            %dma_wait3A_681 = arith.constant 250 : i32
            %dma_wait3A_682 = arith.constant 0 : i32
            %dma_wait3A_683 = tpu.memref_slice %arg6[%dma_wait3A_681, %dma_wait3A_682] : memref<400x64xf32, #tpu.memory_space<vmem>> -> memref<50x64xf32, #tpu.memory_space<vmem>>
            %dma_wait3A_684 = arith.constant 0 : i32
            %dma_wait3A_685 = tpu.memref_slice %arg4[%mul3A_680, %dma_wait3A_684] : memref<917504x128xf32, #tpu.memory_space<hbm>> -> memref<50x64xf32, #tpu.memory_space<hbm>>
            %dma_wait3A_686 = arith.constant 0 : i32
            %dma_wait3A_687 = tpu.memref_slice %arg4[%mul3A_680, %dma_wait3A_686] : memref<917504x128xf32, #tpu.memory_space<hbm>> -> memref<50x64xf32, #tpu.memory_space<hbm>>
            %dma_wait3A_688 = arith.constant 250 : i32
            %dma_wait3A_689 = arith.constant 0 : i32
            %dma_wait3A_690 = tpu.memref_slice %arg6[%dma_wait3A_688, %dma_wait3A_689] : memref<400x64xf32, #tpu.memory_space<vmem>> -> memref<50x64xf32, #tpu.memory_space<vmem>>
            tpu.wait_dma2 semaphore(%arg12 : memref<!tpu.dma_semaphore, #tpu.memory_space<semaphore_mem>>) src(%dma_wait3A_690 : memref<50x64xf32, #tpu.memory_space<vmem>>) dst(%dma_wait3A_687 : memref<50x64xf32, #tpu.memory_space<hbm>>)
            %mul3A_691 = arith.constant 8 : i32
            %mul3A_692 = arith.muli %sub3A_588, %mul3A_691 : i32
            %add3A_693 = arith.addi %mul3A_4, %mul3A_692 : i32
            %add3A_694 = arith.constant 6 : i32
            %add3A_695 = arith.addi %add3A_693, %add3A_694 : i32
            %mul3A_696 = arith.constant 56 : i32
            %mul3A_697 = arith.muli %add3A_695, %mul3A_696 : i32
            %dma_wait3A_698 = arith.constant 300 : i32
            %dma_wait3A_699 = arith.constant 0 : i32
            %dma_wait3A_700 = tpu.memref_slice %arg6[%dma_wait3A_698, %dma_wait3A_699] : memref<400x64xf32, #tpu.memory_space<vmem>> -> memref<50x64xf32, #tpu.memory_space<vmem>>
            %dma_wait3A_701 = arith.constant 0 : i32
            %dma_wait3A_702 = tpu.memref_slice %arg4[%mul3A_697, %dma_wait3A_701] : memref<917504x128xf32, #tpu.memory_space<hbm>> -> memref<50x64xf32, #tpu.memory_space<hbm>>
            %dma_wait3A_703 = arith.constant 0 : i32
            %dma_wait3A_704 = tpu.memref_slice %arg4[%mul3A_697, %dma_wait3A_703] : memref<917504x128xf32, #tpu.memory_space<hbm>> -> memref<50x64xf32, #tpu.memory_space<hbm>>
            %dma_wait3A_705 = arith.constant 300 : i32
            %dma_wait3A_706 = arith.constant 0 : i32
            %dma_wait3A_707 = tpu.memref_slice %arg6[%dma_wait3A_705, %dma_wait3A_706] : memref<400x64xf32, #tpu.memory_space<vmem>> -> memref<50x64xf32, #tpu.memory_space<vmem>>
            tpu.wait_dma2 semaphore(%arg12 : memref<!tpu.dma_semaphore, #tpu.memory_space<semaphore_mem>>) src(%dma_wait3A_707 : memref<50x64xf32, #tpu.memory_space<vmem>>) dst(%dma_wait3A_704 : memref<50x64xf32, #tpu.memory_space<hbm>>)
            %mul3A_708 = arith.constant 8 : i32
            %mul3A_709 = arith.muli %sub3A_588, %mul3A_708 : i32
            %add3A_710 = arith.addi %mul3A_4, %mul3A_709 : i32
            %add3A_711 = arith.constant 7 : i32
            %add3A_712 = arith.addi %add3A_710, %add3A_711 : i32
            %mul3A_713 = arith.constant 56 : i32
            %mul3A_714 = arith.muli %add3A_712, %mul3A_713 : i32
            %dma_wait3A_715 = arith.constant 350 : i32
            %dma_wait3A_716 = arith.constant 0 : i32
            %dma_wait3A_717 = tpu.memref_slice %arg6[%dma_wait3A_715, %dma_wait3A_716] : memref<400x64xf32, #tpu.memory_space<vmem>> -> memref<50x64xf32, #tpu.memory_space<vmem>>
            %dma_wait3A_718 = arith.constant 0 : i32
            %dma_wait3A_719 = tpu.memref_slice %arg4[%mul3A_714, %dma_wait3A_718] : memref<917504x128xf32, #tpu.memory_space<hbm>> -> memref<50x64xf32, #tpu.memory_space<hbm>>
            %dma_wait3A_720 = arith.constant 0 : i32
            %dma_wait3A_721 = tpu.memref_slice %arg4[%mul3A_714, %dma_wait3A_720] : memref<917504x128xf32, #tpu.memory_space<hbm>> -> memref<50x64xf32, #tpu.memory_space<hbm>>
            %dma_wait3A_722 = arith.constant 350 : i32
            %dma_wait3A_723 = arith.constant 0 : i32
            %dma_wait3A_724 = tpu.memref_slice %arg6[%dma_wait3A_722, %dma_wait3A_723] : memref<400x64xf32, #tpu.memory_space<vmem>> -> memref<50x64xf32, #tpu.memory_space<vmem>>
            tpu.wait_dma2 semaphore(%arg12 : memref<!tpu.dma_semaphore, #tpu.memory_space<semaphore_mem>>) src(%dma_wait3A_724 : memref<50x64xf32, #tpu.memory_space<vmem>>) dst(%dma_wait3A_721 : memref<50x64xf32, #tpu.memory_space<hbm>>)
          } else {
          }
          %mul3A_581 = arith.constant 400 : i32
          %mul3A_582 = arith.muli %sub3A_571, %mul3A_581 : i32
          %dma_start3A_583 = tpu.memref_slice %arg5[%mul3A_582] : memref<25600xi32, #tpu.memory_space<vmem>> -> memref<400xi32, #tpu.memory_space<vmem>>
          %dma_start3A_584 = arith.constant 0 : i32
          %dma_start3A_585 = arith.constant 0 : i32
          %dma_start3A_586 = tpu.memref_slice %arg2[%dma_start3A_584, %dma_start3A_585] : memref<2000000x64xf32, #tpu.memory_space<hbm>> -> memref<2000000x64xf32, #tpu.memory_space<hbm>>
          tpu.enqueue_indirect_dma source(%dma_start3A_586 : memref<2000000x64xf32, #tpu.memory_space<hbm>>) target(%arg6 : memref<400x64xf32, #tpu.memory_space<vmem>>) offsets(%dma_start3A_583 : memref<400xi32, #tpu.memory_space<vmem>>) semaphore(%arg9 : memref<!tpu.dma_semaphore, #tpu.memory_space<semaphore_mem>>)
        } else {
        }
      } else {
      }
      %mul3A_418 = arith.constant 3 : i32
      %mul3A_419 = arith.muli %scan3A_402, %mul3A_418 : i32
      %add3A_420 = arith.constant 2 : i32
      %add3A_421 = arith.addi %mul3A_419, %add3A_420 : i32
      %lt3A_422 = arith.constant 64 : i32
      %lt3A_423 = arith.cmpi slt, %add3A_421, %lt3A_422 : i32
      %convert_element_type3A_424 = arith.extui %lt3A_423 : i1 to i32
      %cond3A_425 = arith.constant 0 : i32
      %cond3A_426 = arith.cmpi ne, %convert_element_type3A_424, %cond3A_425 : i32
      scf.if %cond3A_426 {
        %mul3A_427 = arith.constant 400 : i32
        %mul3A_428 = arith.muli %add3A_421, %mul3A_427 : i32
        %dma_wait3A_429 = tpu.memref_slice %arg5[%mul3A_428] : memref<25600xi32, #tpu.memory_space<vmem>> -> memref<400xi32, #tpu.memory_space<vmem>>
        %dma_wait3A_430 = arith.constant 0 : i32
        %dma_wait3A_431 = arith.constant 0 : i32
        %dma_wait3A_432 = tpu.memref_slice %arg2[%dma_wait3A_430, %dma_wait3A_431] : memref<2000000x64xf32, #tpu.memory_space<hbm>> -> memref<2000000x64xf32, #tpu.memory_space<hbm>>
        tpu.wait_indirect_dma semaphore(%arg11 : memref<!tpu.dma_semaphore, #tpu.memory_space<semaphore_mem>>) src(%dma_wait3A_432 : memref<2000000x64xf32, #tpu.memory_space<hbm>>) dst(%arg8 : memref<400x64xf32, #tpu.memory_space<vmem>>)
        %mul3A_433 = arith.constant 8 : i32
        %mul3A_434 = arith.muli %add3A_421, %mul3A_433 : i32
        %add3A_435 = arith.addi %mul3A_4, %mul3A_434 : i32
        %add3A_436 = arith.constant 0 : i32
        %add3A_437 = arith.addi %add3A_435, %add3A_436 : i32
        %mul3A_438 = arith.constant 56 : i32
        %mul3A_439 = arith.muli %add3A_437, %mul3A_438 : i32
        %dma_start3A_440 = arith.constant 0 : i32
        %dma_start3A_441 = arith.constant 0 : i32
        %dma_start3A_442 = tpu.memref_slice %arg8[%dma_start3A_440, %dma_start3A_441] : memref<400x64xf32, #tpu.memory_space<vmem>> -> memref<50x64xf32, #tpu.memory_space<vmem>>
        %dma_start3A_443 = arith.constant 0 : i32
        %dma_start3A_444 = tpu.memref_slice %arg4[%mul3A_439, %dma_start3A_443] : memref<917504x128xf32, #tpu.memory_space<hbm>> -> memref<50x64xf32, #tpu.memory_space<hbm>>
        %dma_start3A_445 = arith.constant 0 : i32
        %dma_start3A_446 = tpu.memref_slice %arg4[%mul3A_439, %dma_start3A_445] : memref<917504x128xf32, #tpu.memory_space<hbm>> -> memref<50x64xf32, #tpu.memory_space<hbm>>
        %dma_start3A_447 = arith.constant 0 : i32
        %dma_start3A_448 = arith.constant 0 : i32
        %dma_start3A_449 = tpu.memref_slice %arg8[%dma_start3A_447, %dma_start3A_448] : memref<400x64xf32, #tpu.memory_space<vmem>> -> memref<50x64xf32, #tpu.memory_space<vmem>>
        tpu.enqueue_dma source(%dma_start3A_449 : memref<50x64xf32, #tpu.memory_space<vmem>>) target(%dma_start3A_446 : memref<50x64xf32, #tpu.memory_space<hbm>>) target_semaphore(%arg14 : memref<!tpu.dma_semaphore, #tpu.memory_space<semaphore_mem>>)
        %mul3A_450 = arith.constant 8 : i32
        %mul3A_451 = arith.muli %add3A_421, %mul3A_450 : i32
        %add3A_452 = arith.addi %mul3A_4, %mul3A_451 : i32
        %add3A_453 = arith.constant 1 : i32
        %add3A_454 = arith.addi %add3A_452, %add3A_453 : i32
        %mul3A_455 = arith.constant 56 : i32
        %mul3A_456 = arith.muli %add3A_454, %mul3A_455 : i32
        %dma_start3A_457 = arith.constant 50 : i32
        %dma_start3A_458 = arith.constant 0 : i32
        %dma_start3A_459 = tpu.memref_slice %arg8[%dma_start3A_457, %dma_start3A_458] : memref<400x64xf32, #tpu.memory_space<vmem>> -> memref<50x64xf32, #tpu.memory_space<vmem>>
        %dma_start3A_460 = arith.constant 0 : i32
        %dma_start3A_461 = tpu.memref_slice %arg4[%mul3A_456, %dma_start3A_460] : memref<917504x128xf32, #tpu.memory_space<hbm>> -> memref<50x64xf32, #tpu.memory_space<hbm>>
        %dma_start3A_462 = arith.constant 0 : i32
        %dma_start3A_463 = tpu.memref_slice %arg4[%mul3A_456, %dma_start3A_462] : memref<917504x128xf32, #tpu.memory_space<hbm>> -> memref<50x64xf32, #tpu.memory_space<hbm>>
        %dma_start3A_464 = arith.constant 50 : i32
        %dma_start3A_465 = arith.constant 0 : i32
        %dma_start3A_466 = tpu.memref_slice %arg8[%dma_start3A_464, %dma_start3A_465] : memref<400x64xf32, #tpu.memory_space<vmem>> -> memref<50x64xf32, #tpu.memory_space<vmem>>
        tpu.enqueue_dma source(%dma_start3A_466 : memref<50x64xf32, #tpu.memory_space<vmem>>) target(%dma_start3A_463 : memref<50x64xf32, #tpu.memory_space<hbm>>) target_semaphore(%arg14 : memref<!tpu.dma_semaphore, #tpu.memory_space<semaphore_mem>>)
        %mul3A_467 = arith.constant 8 : i32
        %mul3A_468 = arith.muli %add3A_421, %mul3A_467 : i32
        %add3A_469 = arith.addi %mul3A_4, %mul3A_468 : i32
        %add3A_470 = arith.constant 2 : i32
        %add3A_471 = arith.addi %add3A_469, %add3A_470 : i32
        %mul3A_472 = arith.constant 56 : i32
        %mul3A_473 = arith.muli %add3A_471, %mul3A_472 : i32
        %dma_start3A_474 = arith.constant 100 : i32
        %dma_start3A_475 = arith.constant 0 : i32
        %dma_start3A_476 = tpu.memref_slice %arg8[%dma_start3A_474, %dma_start3A_475] : memref<400x64xf32, #tpu.memory_space<vmem>> -> memref<50x64xf32, #tpu.memory_space<vmem>>
        %dma_start3A_477 = arith.constant 0 : i32
        %dma_start3A_478 = tpu.memref_slice %arg4[%mul3A_473, %dma_start3A_477] : memref<917504x128xf32, #tpu.memory_space<hbm>> -> memref<50x64xf32, #tpu.memory_space<hbm>>
        %dma_start3A_479 = arith.constant 0 : i32
        %dma_start3A_480 = tpu.memref_slice %arg4[%mul3A_473, %dma_start3A_479] : memref<917504x128xf32, #tpu.memory_space<hbm>> -> memref<50x64xf32, #tpu.memory_space<hbm>>
        %dma_start3A_481 = arith.constant 100 : i32
        %dma_start3A_482 = arith.constant 0 : i32
        %dma_start3A_483 = tpu.memref_slice %arg8[%dma_start3A_481, %dma_start3A_482] : memref<400x64xf32, #tpu.memory_space<vmem>> -> memref<50x64xf32, #tpu.memory_space<vmem>>
        tpu.enqueue_dma source(%dma_start3A_483 : memref<50x64xf32, #tpu.memory_space<vmem>>) target(%dma_start3A_480 : memref<50x64xf32, #tpu.memory_space<hbm>>) target_semaphore(%arg14 : memref<!tpu.dma_semaphore, #tpu.memory_space<semaphore_mem>>)
        %mul3A_484 = arith.constant 8 : i32
        %mul3A_485 = arith.muli %add3A_421, %mul3A_484 : i32
        %add3A_486 = arith.addi %mul3A_4, %mul3A_485 : i32
        %add3A_487 = arith.constant 3 : i32
        %add3A_488 = arith.addi %add3A_486, %add3A_487 : i32
        %mul3A_489 = arith.constant 56 : i32
        %mul3A_490 = arith.muli %add3A_488, %mul3A_489 : i32
        %dma_start3A_491 = arith.constant 150 : i32
        %dma_start3A_492 = arith.constant 0 : i32
        %dma_start3A_493 = tpu.memref_slice %arg8[%dma_start3A_491, %dma_start3A_492] : memref<400x64xf32, #tpu.memory_space<vmem>> -> memref<50x64xf32, #tpu.memory_space<vmem>>
        %dma_start3A_494 = arith.constant 0 : i32
        %dma_start3A_495 = tpu.memref_slice %arg4[%mul3A_490, %dma_start3A_494] : memref<917504x128xf32, #tpu.memory_space<hbm>> -> memref<50x64xf32, #tpu.memory_space<hbm>>
        %dma_start3A_496 = arith.constant 0 : i32
        %dma_start3A_497 = tpu.memref_slice %arg4[%mul3A_490, %dma_start3A_496] : memref<917504x128xf32, #tpu.memory_space<hbm>> -> memref<50x64xf32, #tpu.memory_space<hbm>>
        %dma_start3A_498 = arith.constant 150 : i32
        %dma_start3A_499 = arith.constant 0 : i32
        %dma_start3A_500 = tpu.memref_slice %arg8[%dma_start3A_498, %dma_start3A_499] : memref<400x64xf32, #tpu.memory_space<vmem>> -> memref<50x64xf32, #tpu.memory_space<vmem>>
        tpu.enqueue_dma source(%dma_start3A_500 : memref<50x64xf32, #tpu.memory_space<vmem>>) target(%dma_start3A_497 : memref<50x64xf32, #tpu.memory_space<hbm>>) target_semaphore(%arg14 : memref<!tpu.dma_semaphore, #tpu.memory_space<semaphore_mem>>)
        %mul3A_501 = arith.constant 8 : i32
        %mul3A_502 = arith.muli %add3A_421, %mul3A_501 : i32
        %add3A_503 = arith.addi %mul3A_4, %mul3A_502 : i32
        %add3A_504 = arith.constant 4 : i32
        %add3A_505 = arith.addi %add3A_503, %add3A_504 : i32
        %mul3A_506 = arith.constant 56 : i32
        %mul3A_507 = arith.muli %add3A_505, %mul3A_506 : i32
        %dma_start3A_508 = arith.constant 200 : i32
        %dma_start3A_509 = arith.constant 0 : i32
        %dma_start3A_510 = tpu.memref_slice %arg8[%dma_start3A_508, %dma_start3A_509] : memref<400x64xf32, #tpu.memory_space<vmem>> -> memref<50x64xf32, #tpu.memory_space<vmem>>
        %dma_start3A_511 = arith.constant 0 : i32
        %dma_start3A_512 = tpu.memref_slice %arg4[%mul3A_507, %dma_start3A_511] : memref<917504x128xf32, #tpu.memory_space<hbm>> -> memref<50x64xf32, #tpu.memory_space<hbm>>
        %dma_start3A_513 = arith.constant 0 : i32
        %dma_start3A_514 = tpu.memref_slice %arg4[%mul3A_507, %dma_start3A_513] : memref<917504x128xf32, #tpu.memory_space<hbm>> -> memref<50x64xf32, #tpu.memory_space<hbm>>
        %dma_start3A_515 = arith.constant 200 : i32
        %dma_start3A_516 = arith.constant 0 : i32
        %dma_start3A_517 = tpu.memref_slice %arg8[%dma_start3A_515, %dma_start3A_516] : memref<400x64xf32, #tpu.memory_space<vmem>> -> memref<50x64xf32, #tpu.memory_space<vmem>>
        tpu.enqueue_dma source(%dma_start3A_517 : memref<50x64xf32, #tpu.memory_space<vmem>>) target(%dma_start3A_514 : memref<50x64xf32, #tpu.memory_space<hbm>>) target_semaphore(%arg14 : memref<!tpu.dma_semaphore, #tpu.memory_space<semaphore_mem>>)
        %mul3A_518 = arith.constant 8 : i32
        %mul3A_519 = arith.muli %add3A_421, %mul3A_518 : i32
        %add3A_520 = arith.addi %mul3A_4, %mul3A_519 : i32
        %add3A_521 = arith.constant 5 : i32
        %add3A_522 = arith.addi %add3A_520, %add3A_521 : i32
        %mul3A_523 = arith.constant 56 : i32
        %mul3A_524 = arith.muli %add3A_522, %mul3A_523 : i32
        %dma_start3A_525 = arith.constant 250 : i32
        %dma_start3A_526 = arith.constant 0 : i32
        %dma_start3A_527 = tpu.memref_slice %arg8[%dma_start3A_525, %dma_start3A_526] : memref<400x64xf32, #tpu.memory_space<vmem>> -> memref<50x64xf32, #tpu.memory_space<vmem>>
        %dma_start3A_528 = arith.constant 0 : i32
        %dma_start3A_529 = tpu.memref_slice %arg4[%mul3A_524, %dma_start3A_528] : memref<917504x128xf32, #tpu.memory_space<hbm>> -> memref<50x64xf32, #tpu.memory_space<hbm>>
        %dma_start3A_530 = arith.constant 0 : i32
        %dma_start3A_531 = tpu.memref_slice %arg4[%mul3A_524, %dma_start3A_530] : memref<917504x128xf32, #tpu.memory_space<hbm>> -> memref<50x64xf32, #tpu.memory_space<hbm>>
        %dma_start3A_532 = arith.constant 250 : i32
        %dma_start3A_533 = arith.constant 0 : i32
        %dma_start3A_534 = tpu.memref_slice %arg8[%dma_start3A_532, %dma_start3A_533] : memref<400x64xf32, #tpu.memory_space<vmem>> -> memref<50x64xf32, #tpu.memory_space<vmem>>
        tpu.enqueue_dma source(%dma_start3A_534 : memref<50x64xf32, #tpu.memory_space<vmem>>) target(%dma_start3A_531 : memref<50x64xf32, #tpu.memory_space<hbm>>) target_semaphore(%arg14 : memref<!tpu.dma_semaphore, #tpu.memory_space<semaphore_mem>>)
        %mul3A_535 = arith.constant 8 : i32
        %mul3A_536 = arith.muli %add3A_421, %mul3A_535 : i32
        %add3A_537 = arith.addi %mul3A_4, %mul3A_536 : i32
        %add3A_538 = arith.constant 6 : i32
        %add3A_539 = arith.addi %add3A_537, %add3A_538 : i32
        %mul3A_540 = arith.constant 56 : i32
        %mul3A_541 = arith.muli %add3A_539, %mul3A_540 : i32
        %dma_start3A_542 = arith.constant 300 : i32
        %dma_start3A_543 = arith.constant 0 : i32
        %dma_start3A_544 = tpu.memref_slice %arg8[%dma_start3A_542, %dma_start3A_543] : memref<400x64xf32, #tpu.memory_space<vmem>> -> memref<50x64xf32, #tpu.memory_space<vmem>>
        %dma_start3A_545 = arith.constant 0 : i32
        %dma_start3A_546 = tpu.memref_slice %arg4[%mul3A_541, %dma_start3A_545] : memref<917504x128xf32, #tpu.memory_space<hbm>> -> memref<50x64xf32, #tpu.memory_space<hbm>>
        %dma_start3A_547 = arith.constant 0 : i32
        %dma_start3A_548 = tpu.memref_slice %arg4[%mul3A_541, %dma_start3A_547] : memref<917504x128xf32, #tpu.memory_space<hbm>> -> memref<50x64xf32, #tpu.memory_space<hbm>>
        %dma_start3A_549 = arith.constant 300 : i32
        %dma_start3A_550 = arith.constant 0 : i32
        %dma_start3A_551 = tpu.memref_slice %arg8[%dma_start3A_549, %dma_start3A_550] : memref<400x64xf32, #tpu.memory_space<vmem>> -> memref<50x64xf32, #tpu.memory_space<vmem>>
        tpu.enqueue_dma source(%dma_start3A_551 : memref<50x64xf32, #tpu.memory_space<vmem>>) target(%dma_start3A_548 : memref<50x64xf32, #tpu.memory_space<hbm>>) target_semaphore(%arg14 : memref<!tpu.dma_semaphore, #tpu.memory_space<semaphore_mem>>)
        %mul3A_552 = arith.constant 8 : i32
        %mul3A_553 = arith.muli %add3A_421, %mul3A_552 : i32
        %add3A_554 = arith.addi %mul3A_4, %mul3A_553 : i32
        %add3A_555 = arith.constant 7 : i32
        %add3A_556 = arith.addi %add3A_554, %add3A_555 : i32
        %mul3A_557 = arith.constant 56 : i32
        %mul3A_558 = arith.muli %add3A_556, %mul3A_557 : i32
        %dma_start3A_559 = arith.constant 350 : i32
        %dma_start3A_560 = arith.constant 0 : i32
        %dma_start3A_561 = tpu.memref_slice %arg8[%dma_start3A_559, %dma_start3A_560] : memref<400x64xf32, #tpu.memory_space<vmem>> -> memref<50x64xf32, #tpu.memory_space<vmem>>
        %dma_start3A_562 = arith.constant 0 : i32
        %dma_start3A_563 = tpu.memref_slice %arg4[%mul3A_558, %dma_start3A_562] : memref<917504x128xf32, #tpu.memory_space<hbm>> -> memref<50x64xf32, #tpu.memory_space<hbm>>
        %dma_start3A_564 = arith.constant 0 : i32
        %dma_start3A_565 = tpu.memref_slice %arg4[%mul3A_558, %dma_start3A_564] : memref<917504x128xf32, #tpu.memory_space<hbm>> -> memref<50x64xf32, #tpu.memory_space<hbm>>
        %dma_start3A_566 = arith.constant 350 : i32
        %dma_start3A_567 = arith.constant 0 : i32
        %dma_start3A_568 = tpu.memref_slice %arg8[%dma_start3A_566, %dma_start3A_567] : memref<400x64xf32, #tpu.memory_space<vmem>> -> memref<50x64xf32, #tpu.memory_space<vmem>>
        tpu.enqueue_dma source(%dma_start3A_568 : memref<50x64xf32, #tpu.memory_space<vmem>>) target(%dma_start3A_565 : memref<50x64xf32, #tpu.memory_space<hbm>>) target_semaphore(%arg14 : memref<!tpu.dma_semaphore, #tpu.memory_space<semaphore_mem>>)
        %add3A_569 = arith.constant 3 : i32
        %add3A_570 = arith.addi %add3A_421, %add3A_569 : i32
        %sub3A = arith.constant 1 : i32
        %sub3A_571 = arith.subi %add3A_570, %sub3A : i32
        %lt3A_572 = arith.constant 64 : i32
        %lt3A_573 = arith.cmpi slt, %sub3A_571, %lt3A_572 : i32
        %convert_element_type3A_574 = arith.extui %lt3A_573 : i1 to i32
        %cond3A_575 = arith.constant 0 : i32
        %cond3A_576 = arith.cmpi ne, %convert_element_type3A_574, %cond3A_575 : i32
        scf.if %cond3A_576 {
          %ge3A = arith.constant 1 : i32
          %ge3A_577 = arith.cmpi sge, %add3A_421, %ge3A : i32
          %convert_element_type3A_578 = arith.extui %ge3A_577 : i1 to i32
          %cond3A_579 = arith.constant 0 : i32
          %cond3A_580 = arith.cmpi ne, %convert_element_type3A_578, %cond3A_579 : i32
          scf.if %cond3A_580 {
            %sub3A_587 = arith.constant 1 : i32
            %sub3A_588 = arith.subi %add3A_421, %sub3A_587 : i32
            %mul3A_589 = arith.constant 8 : i32
            %mul3A_590 = arith.muli %sub3A_588, %mul3A_589 : i32
            %add3A_591 = arith.addi %mul3A_4, %mul3A_590 : i32
            %add3A_592 = arith.constant 0 : i32
            %add3A_593 = arith.addi %add3A_591, %add3A_592 : i32
            %mul3A_594 = arith.constant 56 : i32
            %mul3A_595 = arith.muli %add3A_593, %mul3A_594 : i32
            %dma_wait3A_596 = arith.constant 0 : i32
            %dma_wait3A_597 = arith.constant 0 : i32
            %dma_wait3A_598 = tpu.memref_slice %arg7[%dma_wait3A_596, %dma_wait3A_597] : memref<400x64xf32, #tpu.memory_space<vmem>> -> memref<50x64xf32, #tpu.memory_space<vmem>>
            %dma_wait3A_599 = arith.constant 0 : i32
            %dma_wait3A_600 = tpu.memref_slice %arg4[%mul3A_595, %dma_wait3A_599] : memref<917504x128xf32, #tpu.memory_space<hbm>> -> memref<50x64xf32, #tpu.memory_space<hbm>>
            %dma_wait3A_601 = arith.constant 0 : i32
            %dma_wait3A_602 = tpu.memref_slice %arg4[%mul3A_595, %dma_wait3A_601] : memref<917504x128xf32, #tpu.memory_space<hbm>> -> memref<50x64xf32, #tpu.memory_space<hbm>>
            %dma_wait3A_603 = arith.constant 0 : i32
            %dma_wait3A_604 = arith.constant 0 : i32
            %dma_wait3A_605 = tpu.memref_slice %arg7[%dma_wait3A_603, %dma_wait3A_604] : memref<400x64xf32, #tpu.memory_space<vmem>> -> memref<50x64xf32, #tpu.memory_space<vmem>>
            tpu.wait_dma2 semaphore(%arg13 : memref<!tpu.dma_semaphore, #tpu.memory_space<semaphore_mem>>) src(%dma_wait3A_605 : memref<50x64xf32, #tpu.memory_space<vmem>>) dst(%dma_wait3A_602 : memref<50x64xf32, #tpu.memory_space<hbm>>)
            %mul3A_606 = arith.constant 8 : i32
            %mul3A_607 = arith.muli %sub3A_588, %mul3A_606 : i32
            %add3A_608 = arith.addi %mul3A_4, %mul3A_607 : i32
            %add3A_609 = arith.constant 1 : i32
            %add3A_610 = arith.addi %add3A_608, %add3A_609 : i32
            %mul3A_611 = arith.constant 56 : i32
            %mul3A_612 = arith.muli %add3A_610, %mul3A_611 : i32
            %dma_wait3A_613 = arith.constant 50 : i32
            %dma_wait3A_614 = arith.constant 0 : i32
            %dma_wait3A_615 = tpu.memref_slice %arg7[%dma_wait3A_613, %dma_wait3A_614] : memref<400x64xf32, #tpu.memory_space<vmem>> -> memref<50x64xf32, #tpu.memory_space<vmem>>
            %dma_wait3A_616 = arith.constant 0 : i32
            %dma_wait3A_617 = tpu.memref_slice %arg4[%mul3A_612, %dma_wait3A_616] : memref<917504x128xf32, #tpu.memory_space<hbm>> -> memref<50x64xf32, #tpu.memory_space<hbm>>
            %dma_wait3A_618 = arith.constant 0 : i32
            %dma_wait3A_619 = tpu.memref_slice %arg4[%mul3A_612, %dma_wait3A_618] : memref<917504x128xf32, #tpu.memory_space<hbm>> -> memref<50x64xf32, #tpu.memory_space<hbm>>
            %dma_wait3A_620 = arith.constant 50 : i32
            %dma_wait3A_621 = arith.constant 0 : i32
            %dma_wait3A_622 = tpu.memref_slice %arg7[%dma_wait3A_620, %dma_wait3A_621] : memref<400x64xf32, #tpu.memory_space<vmem>> -> memref<50x64xf32, #tpu.memory_space<vmem>>
            tpu.wait_dma2 semaphore(%arg13 : memref<!tpu.dma_semaphore, #tpu.memory_space<semaphore_mem>>) src(%dma_wait3A_622 : memref<50x64xf32, #tpu.memory_space<vmem>>) dst(%dma_wait3A_619 : memref<50x64xf32, #tpu.memory_space<hbm>>)
            %mul3A_623 = arith.constant 8 : i32
            %mul3A_624 = arith.muli %sub3A_588, %mul3A_623 : i32
            %add3A_625 = arith.addi %mul3A_4, %mul3A_624 : i32
            %add3A_626 = arith.constant 2 : i32
            %add3A_627 = arith.addi %add3A_625, %add3A_626 : i32
            %mul3A_628 = arith.constant 56 : i32
            %mul3A_629 = arith.muli %add3A_627, %mul3A_628 : i32
            %dma_wait3A_630 = arith.constant 100 : i32
            %dma_wait3A_631 = arith.constant 0 : i32
            %dma_wait3A_632 = tpu.memref_slice %arg7[%dma_wait3A_630, %dma_wait3A_631] : memref<400x64xf32, #tpu.memory_space<vmem>> -> memref<50x64xf32, #tpu.memory_space<vmem>>
            %dma_wait3A_633 = arith.constant 0 : i32
            %dma_wait3A_634 = tpu.memref_slice %arg4[%mul3A_629, %dma_wait3A_633] : memref<917504x128xf32, #tpu.memory_space<hbm>> -> memref<50x64xf32, #tpu.memory_space<hbm>>
            %dma_wait3A_635 = arith.constant 0 : i32
            %dma_wait3A_636 = tpu.memref_slice %arg4[%mul3A_629, %dma_wait3A_635] : memref<917504x128xf32, #tpu.memory_space<hbm>> -> memref<50x64xf32, #tpu.memory_space<hbm>>
            %dma_wait3A_637 = arith.constant 100 : i32
            %dma_wait3A_638 = arith.constant 0 : i32
            %dma_wait3A_639 = tpu.memref_slice %arg7[%dma_wait3A_637, %dma_wait3A_638] : memref<400x64xf32, #tpu.memory_space<vmem>> -> memref<50x64xf32, #tpu.memory_space<vmem>>
            tpu.wait_dma2 semaphore(%arg13 : memref<!tpu.dma_semaphore, #tpu.memory_space<semaphore_mem>>) src(%dma_wait3A_639 : memref<50x64xf32, #tpu.memory_space<vmem>>) dst(%dma_wait3A_636 : memref<50x64xf32, #tpu.memory_space<hbm>>)
            %mul3A_640 = arith.constant 8 : i32
            %mul3A_641 = arith.muli %sub3A_588, %mul3A_640 : i32
            %add3A_642 = arith.addi %mul3A_4, %mul3A_641 : i32
            %add3A_643 = arith.constant 3 : i32
            %add3A_644 = arith.addi %add3A_642, %add3A_643 : i32
            %mul3A_645 = arith.constant 56 : i32
            %mul3A_646 = arith.muli %add3A_644, %mul3A_645 : i32
            %dma_wait3A_647 = arith.constant 150 : i32
            %dma_wait3A_648 = arith.constant 0 : i32
            %dma_wait3A_649 = tpu.memref_slice %arg7[%dma_wait3A_647, %dma_wait3A_648] : memref<400x64xf32, #tpu.memory_space<vmem>> -> memref<50x64xf32, #tpu.memory_space<vmem>>
            %dma_wait3A_650 = arith.constant 0 : i32
            %dma_wait3A_651 = tpu.memref_slice %arg4[%mul3A_646, %dma_wait3A_650] : memref<917504x128xf32, #tpu.memory_space<hbm>> -> memref<50x64xf32, #tpu.memory_space<hbm>>
            %dma_wait3A_652 = arith.constant 0 : i32
            %dma_wait3A_653 = tpu.memref_slice %arg4[%mul3A_646, %dma_wait3A_652] : memref<917504x128xf32, #tpu.memory_space<hbm>> -> memref<50x64xf32, #tpu.memory_space<hbm>>
            %dma_wait3A_654 = arith.constant 150 : i32
            %dma_wait3A_655 = arith.constant 0 : i32
            %dma_wait3A_656 = tpu.memref_slice %arg7[%dma_wait3A_654, %dma_wait3A_655] : memref<400x64xf32, #tpu.memory_space<vmem>> -> memref<50x64xf32, #tpu.memory_space<vmem>>
            tpu.wait_dma2 semaphore(%arg13 : memref<!tpu.dma_semaphore, #tpu.memory_space<semaphore_mem>>) src(%dma_wait3A_656 : memref<50x64xf32, #tpu.memory_space<vmem>>) dst(%dma_wait3A_653 : memref<50x64xf32, #tpu.memory_space<hbm>>)
            %mul3A_657 = arith.constant 8 : i32
            %mul3A_658 = arith.muli %sub3A_588, %mul3A_657 : i32
            %add3A_659 = arith.addi %mul3A_4, %mul3A_658 : i32
            %add3A_660 = arith.constant 4 : i32
            %add3A_661 = arith.addi %add3A_659, %add3A_660 : i32
            %mul3A_662 = arith.constant 56 : i32
            %mul3A_663 = arith.muli %add3A_661, %mul3A_662 : i32
            %dma_wait3A_664 = arith.constant 200 : i32
            %dma_wait3A_665 = arith.constant 0 : i32
            %dma_wait3A_666 = tpu.memref_slice %arg7[%dma_wait3A_664, %dma_wait3A_665] : memref<400x64xf32, #tpu.memory_space<vmem>> -> memref<50x64xf32, #tpu.memory_space<vmem>>
            %dma_wait3A_667 = arith.constant 0 : i32
            %dma_wait3A_668 = tpu.memref_slice %arg4[%mul3A_663, %dma_wait3A_667] : memref<917504x128xf32, #tpu.memory_space<hbm>> -> memref<50x64xf32, #tpu.memory_space<hbm>>
            %dma_wait3A_669 = arith.constant 0 : i32
            %dma_wait3A_670 = tpu.memref_slice %arg4[%mul3A_663, %dma_wait3A_669] : memref<917504x128xf32, #tpu.memory_space<hbm>> -> memref<50x64xf32, #tpu.memory_space<hbm>>
            %dma_wait3A_671 = arith.constant 200 : i32
            %dma_wait3A_672 = arith.constant 0 : i32
            %dma_wait3A_673 = tpu.memref_slice %arg7[%dma_wait3A_671, %dma_wait3A_672] : memref<400x64xf32, #tpu.memory_space<vmem>> -> memref<50x64xf32, #tpu.memory_space<vmem>>
            tpu.wait_dma2 semaphore(%arg13 : memref<!tpu.dma_semaphore, #tpu.memory_space<semaphore_mem>>) src(%dma_wait3A_673 : memref<50x64xf32, #tpu.memory_space<vmem>>) dst(%dma_wait3A_670 : memref<50x64xf32, #tpu.memory_space<hbm>>)
            %mul3A_674 = arith.constant 8 : i32
            %mul3A_675 = arith.muli %sub3A_588, %mul3A_674 : i32
            %add3A_676 = arith.addi %mul3A_4, %mul3A_675 : i32
            %add3A_677 = arith.constant 5 : i32
            %add3A_678 = arith.addi %add3A_676, %add3A_677 : i32
            %mul3A_679 = arith.constant 56 : i32
            %mul3A_680 = arith.muli %add3A_678, %mul3A_679 : i32
            %dma_wait3A_681 = arith.constant 250 : i32
            %dma_wait3A_682 = arith.constant 0 : i32
            %dma_wait3A_683 = tpu.memref_slice %arg7[%dma_wait3A_681, %dma_wait3A_682] : memref<400x64xf32, #tpu.memory_space<vmem>> -> memref<50x64xf32, #tpu.memory_space<vmem>>
            %dma_wait3A_684 = arith.constant 0 : i32
            %dma_wait3A_685 = tpu.memref_slice %arg4[%mul3A_680, %dma_wait3A_684] : memref<917504x128xf32, #tpu.memory_space<hbm>> -> memref<50x64xf32, #tpu.memory_space<hbm>>
            %dma_wait3A_686 = arith.constant 0 : i32
            %dma_wait3A_687 = tpu.memref_slice %arg4[%mul3A_680, %dma_wait3A_686] : memref<917504x128xf32, #tpu.memory_space<hbm>> -> memref<50x64xf32, #tpu.memory_space<hbm>>
            %dma_wait3A_688 = arith.constant 250 : i32
            %dma_wait3A_689 = arith.constant 0 : i32
            %dma_wait3A_690 = tpu.memref_slice %arg7[%dma_wait3A_688, %dma_wait3A_689] : memref<400x64xf32, #tpu.memory_space<vmem>> -> memref<50x64xf32, #tpu.memory_space<vmem>>
            tpu.wait_dma2 semaphore(%arg13 : memref<!tpu.dma_semaphore, #tpu.memory_space<semaphore_mem>>) src(%dma_wait3A_690 : memref<50x64xf32, #tpu.memory_space<vmem>>) dst(%dma_wait3A_687 : memref<50x64xf32, #tpu.memory_space<hbm>>)
            %mul3A_691 = arith.constant 8 : i32
            %mul3A_692 = arith.muli %sub3A_588, %mul3A_691 : i32
            %add3A_693 = arith.addi %mul3A_4, %mul3A_692 : i32
            %add3A_694 = arith.constant 6 : i32
            %add3A_695 = arith.addi %add3A_693, %add3A_694 : i32
            %mul3A_696 = arith.constant 56 : i32
            %mul3A_697 = arith.muli %add3A_695, %mul3A_696 : i32
            %dma_wait3A_698 = arith.constant 300 : i32
            %dma_wait3A_699 = arith.constant 0 : i32
            %dma_wait3A_700 = tpu.memref_slice %arg7[%dma_wait3A_698, %dma_wait3A_699] : memref<400x64xf32, #tpu.memory_space<vmem>> -> memref<50x64xf32, #tpu.memory_space<vmem>>
            %dma_wait3A_701 = arith.constant 0 : i32
            %dma_wait3A_702 = tpu.memref_slice %arg4[%mul3A_697, %dma_wait3A_701] : memref<917504x128xf32, #tpu.memory_space<hbm>> -> memref<50x64xf32, #tpu.memory_space<hbm>>
            %dma_wait3A_703 = arith.constant 0 : i32
            %dma_wait3A_704 = tpu.memref_slice %arg4[%mul3A_697, %dma_wait3A_703] : memref<917504x128xf32, #tpu.memory_space<hbm>> -> memref<50x64xf32, #tpu.memory_space<hbm>>
            %dma_wait3A_705 = arith.constant 300 : i32
            %dma_wait3A_706 = arith.constant 0 : i32
            %dma_wait3A_707 = tpu.memref_slice %arg7[%dma_wait3A_705, %dma_wait3A_706] : memref<400x64xf32, #tpu.memory_space<vmem>> -> memref<50x64xf32, #tpu.memory_space<vmem>>
            tpu.wait_dma2 semaphore(%arg13 : memref<!tpu.dma_semaphore, #tpu.memory_space<semaphore_mem>>) src(%dma_wait3A_707 : memref<50x64xf32, #tpu.memory_space<vmem>>) dst(%dma_wait3A_704 : memref<50x64xf32, #tpu.memory_space<hbm>>)
            %mul3A_708 = arith.constant 8 : i32
            %mul3A_709 = arith.muli %sub3A_588, %mul3A_708 : i32
            %add3A_710 = arith.addi %mul3A_4, %mul3A_709 : i32
            %add3A_711 = arith.constant 7 : i32
            %add3A_712 = arith.addi %add3A_710, %add3A_711 : i32
            %mul3A_713 = arith.constant 56 : i32
            %mul3A_714 = arith.muli %add3A_712, %mul3A_713 : i32
            %dma_wait3A_715 = arith.constant 350 : i32
            %dma_wait3A_716 = arith.constant 0 : i32
            %dma_wait3A_717 = tpu.memref_slice %arg7[%dma_wait3A_715, %dma_wait3A_716] : memref<400x64xf32, #tpu.memory_space<vmem>> -> memref<50x64xf32, #tpu.memory_space<vmem>>
            %dma_wait3A_718 = arith.constant 0 : i32
            %dma_wait3A_719 = tpu.memref_slice %arg4[%mul3A_714, %dma_wait3A_718] : memref<917504x128xf32, #tpu.memory_space<hbm>> -> memref<50x64xf32, #tpu.memory_space<hbm>>
            %dma_wait3A_720 = arith.constant 0 : i32
            %dma_wait3A_721 = tpu.memref_slice %arg4[%mul3A_714, %dma_wait3A_720] : memref<917504x128xf32, #tpu.memory_space<hbm>> -> memref<50x64xf32, #tpu.memory_space<hbm>>
            %dma_wait3A_722 = arith.constant 350 : i32
            %dma_wait3A_723 = arith.constant 0 : i32
            %dma_wait3A_724 = tpu.memref_slice %arg7[%dma_wait3A_722, %dma_wait3A_723] : memref<400x64xf32, #tpu.memory_space<vmem>> -> memref<50x64xf32, #tpu.memory_space<vmem>>
            tpu.wait_dma2 semaphore(%arg13 : memref<!tpu.dma_semaphore, #tpu.memory_space<semaphore_mem>>) src(%dma_wait3A_724 : memref<50x64xf32, #tpu.memory_space<vmem>>) dst(%dma_wait3A_721 : memref<50x64xf32, #tpu.memory_space<hbm>>)
          } else {
          }
          %mul3A_581 = arith.constant 400 : i32
          %mul3A_582 = arith.muli %sub3A_571, %mul3A_581 : i32
          %dma_start3A_583 = tpu.memref_slice %arg5[%mul3A_582] : memref<25600xi32, #tpu.memory_space<vmem>> -> memref<400xi32, #tpu.memory_space<vmem>>
          %dma_start3A_584 = arith.constant 0 : i32
          %dma_start3A_585 = arith.constant 0 : i32
          %dma_start3A_586 = tpu.memref_slice %arg2[%dma_start3A_584, %dma_start3A_585] : memref<2000000x64xf32, #tpu.memory_space<hbm>> -> memref<2000000x64xf32, #tpu.memory_space<hbm>>
          tpu.enqueue_indirect_dma source(%dma_start3A_586 : memref<2000000x64xf32, #tpu.memory_space<hbm>>) target(%arg7 : memref<400x64xf32, #tpu.memory_space<vmem>>) offsets(%dma_start3A_583 : memref<400xi32, #tpu.memory_space<vmem>>) semaphore(%arg10 : memref<!tpu.dma_semaphore, #tpu.memory_space<semaphore_mem>>)
        } else {
        }
      } else {
      }
    }
    %scan3A_18 = arith.constant 22 : i32
    %add3A_19 = arith.constant 488 : i32
    %add3A_20 = arith.addi %mul3A_4, %add3A_19 : i32
    %add3A_21 = arith.constant 0 : i32
    %add3A_22 = arith.addi %add3A_20, %add3A_21 : i32
    %mul3A_23 = arith.constant 56 : i32
    %mul3A_24 = arith.muli %add3A_22, %mul3A_23 : i32
    %dma_wait3A = arith.constant 0 : i32
    %dma_wait3A_25 = arith.constant 0 : i32
    %dma_wait3A_26 = tpu.memref_slice %arg7[%dma_wait3A, %dma_wait3A_25] : memref<400x64xf32, #tpu.memory_space<vmem>> -> memref<50x64xf32, #tpu.memory_space<vmem>>
    %dma_wait3A_27 = arith.constant 0 : i32
    %dma_wait3A_28 = tpu.memref_slice %arg4[%mul3A_24, %dma_wait3A_27] : memref<917504x128xf32, #tpu.memory_space<hbm>> -> memref<50x64xf32, #tpu.memory_space<hbm>>
    %dma_wait3A_29 = arith.constant 0 : i32
    %dma_wait3A_30 = tpu.memref_slice %arg4[%mul3A_24, %dma_wait3A_29] : memref<917504x128xf32, #tpu.memory_space<hbm>> -> memref<50x64xf32, #tpu.memory_space<hbm>>
    %dma_wait3A_31 = arith.constant 0 : i32
    %dma_wait3A_32 = arith.constant 0 : i32
    %dma_wait3A_33 = tpu.memref_slice %arg7[%dma_wait3A_31, %dma_wait3A_32] : memref<400x64xf32, #tpu.memory_space<vmem>> -> memref<50x64xf32, #tpu.memory_space<vmem>>
    tpu.wait_dma2 semaphore(%arg13 : memref<!tpu.dma_semaphore, #tpu.memory_space<semaphore_mem>>) src(%dma_wait3A_33 : memref<50x64xf32, #tpu.memory_space<vmem>>) dst(%dma_wait3A_30 : memref<50x64xf32, #tpu.memory_space<hbm>>)
    %add3A_34 = arith.constant 488 : i32
    %add3A_35 = arith.addi %mul3A_4, %add3A_34 : i32
    %add3A_36 = arith.constant 1 : i32
    %add3A_37 = arith.addi %add3A_35, %add3A_36 : i32
    %mul3A_38 = arith.constant 56 : i32
    %mul3A_39 = arith.muli %add3A_37, %mul3A_38 : i32
    %dma_wait3A_40 = arith.constant 50 : i32
    %dma_wait3A_41 = arith.constant 0 : i32
    %dma_wait3A_42 = tpu.memref_slice %arg7[%dma_wait3A_40, %dma_wait3A_41] : memref<400x64xf32, #tpu.memory_space<vmem>> -> memref<50x64xf32, #tpu.memory_space<vmem>>
    %dma_wait3A_43 = arith.constant 0 : i32
    %dma_wait3A_44 = tpu.memref_slice %arg4[%mul3A_39, %dma_wait3A_43] : memref<917504x128xf32, #tpu.memory_space<hbm>> -> memref<50x64xf32, #tpu.memory_space<hbm>>
    %dma_wait3A_45 = arith.constant 0 : i32
    %dma_wait3A_46 = tpu.memref_slice %arg4[%mul3A_39, %dma_wait3A_45] : memref<917504x128xf32, #tpu.memory_space<hbm>> -> memref<50x64xf32, #tpu.memory_space<hbm>>
    %dma_wait3A_47 = arith.constant 50 : i32
    %dma_wait3A_48 = arith.constant 0 : i32
    %dma_wait3A_49 = tpu.memref_slice %arg7[%dma_wait3A_47, %dma_wait3A_48] : memref<400x64xf32, #tpu.memory_space<vmem>> -> memref<50x64xf32, #tpu.memory_space<vmem>>
    tpu.wait_dma2 semaphore(%arg13 : memref<!tpu.dma_semaphore, #tpu.memory_space<semaphore_mem>>) src(%dma_wait3A_49 : memref<50x64xf32, #tpu.memory_space<vmem>>) dst(%dma_wait3A_46 : memref<50x64xf32, #tpu.memory_space<hbm>>)
    %add3A_50 = arith.constant 488 : i32
    %add3A_51 = arith.addi %mul3A_4, %add3A_50 : i32
    %add3A_52 = arith.constant 2 : i32
    %add3A_53 = arith.addi %add3A_51, %add3A_52 : i32
    %mul3A_54 = arith.constant 56 : i32
    %mul3A_55 = arith.muli %add3A_53, %mul3A_54 : i32
    %dma_wait3A_56 = arith.constant 100 : i32
    %dma_wait3A_57 = arith.constant 0 : i32
    %dma_wait3A_58 = tpu.memref_slice %arg7[%dma_wait3A_56, %dma_wait3A_57] : memref<400x64xf32, #tpu.memory_space<vmem>> -> memref<50x64xf32, #tpu.memory_space<vmem>>
    %dma_wait3A_59 = arith.constant 0 : i32
    %dma_wait3A_60 = tpu.memref_slice %arg4[%mul3A_55, %dma_wait3A_59] : memref<917504x128xf32, #tpu.memory_space<hbm>> -> memref<50x64xf32, #tpu.memory_space<hbm>>
    %dma_wait3A_61 = arith.constant 0 : i32
    %dma_wait3A_62 = tpu.memref_slice %arg4[%mul3A_55, %dma_wait3A_61] : memref<917504x128xf32, #tpu.memory_space<hbm>> -> memref<50x64xf32, #tpu.memory_space<hbm>>
    %dma_wait3A_63 = arith.constant 100 : i32
    %dma_wait3A_64 = arith.constant 0 : i32
    %dma_wait3A_65 = tpu.memref_slice %arg7[%dma_wait3A_63, %dma_wait3A_64] : memref<400x64xf32, #tpu.memory_space<vmem>> -> memref<50x64xf32, #tpu.memory_space<vmem>>
    tpu.wait_dma2 semaphore(%arg13 : memref<!tpu.dma_semaphore, #tpu.memory_space<semaphore_mem>>) src(%dma_wait3A_65 : memref<50x64xf32, #tpu.memory_space<vmem>>) dst(%dma_wait3A_62 : memref<50x64xf32, #tpu.memory_space<hbm>>)
    %add3A_66 = arith.constant 488 : i32
    %add3A_67 = arith.addi %mul3A_4, %add3A_66 : i32
    %add3A_68 = arith.constant 3 : i32
    %add3A_69 = arith.addi %add3A_67, %add3A_68 : i32
    %mul3A_70 = arith.constant 56 : i32
    %mul3A_71 = arith.muli %add3A_69, %mul3A_70 : i32
    %dma_wait3A_72 = arith.constant 150 : i32
    %dma_wait3A_73 = arith.constant 0 : i32
    %dma_wait3A_74 = tpu.memref_slice %arg7[%dma_wait3A_72, %dma_wait3A_73] : memref<400x64xf32, #tpu.memory_space<vmem>> -> memref<50x64xf32, #tpu.memory_space<vmem>>
    %dma_wait3A_75 = arith.constant 0 : i32
    %dma_wait3A_76 = tpu.memref_slice %arg4[%mul3A_71, %dma_wait3A_75] : memref<917504x128xf32, #tpu.memory_space<hbm>> -> memref<50x64xf32, #tpu.memory_space<hbm>>
    %dma_wait3A_77 = arith.constant 0 : i32
    %dma_wait3A_78 = tpu.memref_slice %arg4[%mul3A_71, %dma_wait3A_77] : memref<917504x128xf32, #tpu.memory_space<hbm>> -> memref<50x64xf32, #tpu.memory_space<hbm>>
    %dma_wait3A_79 = arith.constant 150 : i32
    %dma_wait3A_80 = arith.constant 0 : i32
    %dma_wait3A_81 = tpu.memref_slice %arg7[%dma_wait3A_79, %dma_wait3A_80] : memref<400x64xf32, #tpu.memory_space<vmem>> -> memref<50x64xf32, #tpu.memory_space<vmem>>
    tpu.wait_dma2 semaphore(%arg13 : memref<!tpu.dma_semaphore, #tpu.memory_space<semaphore_mem>>) src(%dma_wait3A_81 : memref<50x64xf32, #tpu.memory_space<vmem>>) dst(%dma_wait3A_78 : memref<50x64xf32, #tpu.memory_space<hbm>>)
    %add3A_82 = arith.constant 488 : i32
    %add3A_83 = arith.addi %mul3A_4, %add3A_82 : i32
    %add3A_84 = arith.constant 4 : i32
    %add3A_85 = arith.addi %add3A_83, %add3A_84 : i32
    %mul3A_86 = arith.constant 56 : i32
    %mul3A_87 = arith.muli %add3A_85, %mul3A_86 : i32
    %dma_wait3A_88 = arith.constant 200 : i32
    %dma_wait3A_89 = arith.constant 0 : i32
    %dma_wait3A_90 = tpu.memref_slice %arg7[%dma_wait3A_88, %dma_wait3A_89] : memref<400x64xf32, #tpu.memory_space<vmem>> -> memref<50x64xf32, #tpu.memory_space<vmem>>
    %dma_wait3A_91 = arith.constant 0 : i32
    %dma_wait3A_92 = tpu.memref_slice %arg4[%mul3A_87, %dma_wait3A_91] : memref<917504x128xf32, #tpu.memory_space<hbm>> -> memref<50x64xf32, #tpu.memory_space<hbm>>
    %dma_wait3A_93 = arith.constant 0 : i32
    %dma_wait3A_94 = tpu.memref_slice %arg4[%mul3A_87, %dma_wait3A_93] : memref<917504x128xf32, #tpu.memory_space<hbm>> -> memref<50x64xf32, #tpu.memory_space<hbm>>
    %dma_wait3A_95 = arith.constant 200 : i32
    %dma_wait3A_96 = arith.constant 0 : i32
    %dma_wait3A_97 = tpu.memref_slice %arg7[%dma_wait3A_95, %dma_wait3A_96] : memref<400x64xf32, #tpu.memory_space<vmem>> -> memref<50x64xf32, #tpu.memory_space<vmem>>
    tpu.wait_dma2 semaphore(%arg13 : memref<!tpu.dma_semaphore, #tpu.memory_space<semaphore_mem>>) src(%dma_wait3A_97 : memref<50x64xf32, #tpu.memory_space<vmem>>) dst(%dma_wait3A_94 : memref<50x64xf32, #tpu.memory_space<hbm>>)
    %add3A_98 = arith.constant 488 : i32
    %add3A_99 = arith.addi %mul3A_4, %add3A_98 : i32
    %add3A_100 = arith.constant 5 : i32
    %add3A_101 = arith.addi %add3A_99, %add3A_100 : i32
    %mul3A_102 = arith.constant 56 : i32
    %mul3A_103 = arith.muli %add3A_101, %mul3A_102 : i32
    %dma_wait3A_104 = arith.constant 250 : i32
    %dma_wait3A_105 = arith.constant 0 : i32
    %dma_wait3A_106 = tpu.memref_slice %arg7[%dma_wait3A_104, %dma_wait3A_105] : memref<400x64xf32, #tpu.memory_space<vmem>> -> memref<50x64xf32, #tpu.memory_space<vmem>>
    %dma_wait3A_107 = arith.constant 0 : i32
    %dma_wait3A_108 = tpu.memref_slice %arg4[%mul3A_103, %dma_wait3A_107] : memref<917504x128xf32, #tpu.memory_space<hbm>> -> memref<50x64xf32, #tpu.memory_space<hbm>>
    %dma_wait3A_109 = arith.constant 0 : i32
    %dma_wait3A_110 = tpu.memref_slice %arg4[%mul3A_103, %dma_wait3A_109] : memref<917504x128xf32, #tpu.memory_space<hbm>> -> memref<50x64xf32, #tpu.memory_space<hbm>>
    %dma_wait3A_111 = arith.constant 250 : i32
    %dma_wait3A_112 = arith.constant 0 : i32
    %dma_wait3A_113 = tpu.memref_slice %arg7[%dma_wait3A_111, %dma_wait3A_112] : memref<400x64xf32, #tpu.memory_space<vmem>> -> memref<50x64xf32, #tpu.memory_space<vmem>>
    tpu.wait_dma2 semaphore(%arg13 : memref<!tpu.dma_semaphore, #tpu.memory_space<semaphore_mem>>) src(%dma_wait3A_113 : memref<50x64xf32, #tpu.memory_space<vmem>>) dst(%dma_wait3A_110 : memref<50x64xf32, #tpu.memory_space<hbm>>)
    %add3A_114 = arith.constant 488 : i32
    %add3A_115 = arith.addi %mul3A_4, %add3A_114 : i32
    %add3A_116 = arith.constant 6 : i32
    %add3A_117 = arith.addi %add3A_115, %add3A_116 : i32
    %mul3A_118 = arith.constant 56 : i32
    %mul3A_119 = arith.muli %add3A_117, %mul3A_118 : i32
    %dma_wait3A_120 = arith.constant 300 : i32
    %dma_wait3A_121 = arith.constant 0 : i32
    %dma_wait3A_122 = tpu.memref_slice %arg7[%dma_wait3A_120, %dma_wait3A_121] : memref<400x64xf32, #tpu.memory_space<vmem>> -> memref<50x64xf32, #tpu.memory_space<vmem>>
    %dma_wait3A_123 = arith.constant 0 : i32
    %dma_wait3A_124 = tpu.memref_slice %arg4[%mul3A_119, %dma_wait3A_123] : memref<917504x128xf32, #tpu.memory_space<hbm>> -> memref<50x64xf32, #tpu.memory_space<hbm>>
    %dma_wait3A_125 = arith.constant 0 : i32
    %dma_wait3A_126 = tpu.memref_slice %arg4[%mul3A_119, %dma_wait3A_125] : memref<917504x128xf32, #tpu.memory_space<hbm>> -> memref<50x64xf32, #tpu.memory_space<hbm>>
    %dma_wait3A_127 = arith.constant 300 : i32
    %dma_wait3A_128 = arith.constant 0 : i32
    %dma_wait3A_129 = tpu.memref_slice %arg7[%dma_wait3A_127, %dma_wait3A_128] : memref<400x64xf32, #tpu.memory_space<vmem>> -> memref<50x64xf32, #tpu.memory_space<vmem>>
    tpu.wait_dma2 semaphore(%arg13 : memref<!tpu.dma_semaphore, #tpu.memory_space<semaphore_mem>>) src(%dma_wait3A_129 : memref<50x64xf32, #tpu.memory_space<vmem>>) dst(%dma_wait3A_126 : memref<50x64xf32, #tpu.memory_space<hbm>>)
    %add3A_130 = arith.constant 488 : i32
    %add3A_131 = arith.addi %mul3A_4, %add3A_130 : i32
    %add3A_132 = arith.constant 7 : i32
    %add3A_133 = arith.addi %add3A_131, %add3A_132 : i32
    %mul3A_134 = arith.constant 56 : i32
    %mul3A_135 = arith.muli %add3A_133, %mul3A_134 : i32
    %dma_wait3A_136 = arith.constant 350 : i32
    %dma_wait3A_137 = arith.constant 0 : i32
    %dma_wait3A_138 = tpu.memref_slice %arg7[%dma_wait3A_136, %dma_wait3A_137] : memref<400x64xf32, #tpu.memory_space<vmem>> -> memref<50x64xf32, #tpu.memory_space<vmem>>
    %dma_wait3A_139 = arith.constant 0 : i32
    %dma_wait3A_140 = tpu.memref_slice %arg4[%mul3A_135, %dma_wait3A_139] : memref<917504x128xf32, #tpu.memory_space<hbm>> -> memref<50x64xf32, #tpu.memory_space<hbm>>
    %dma_wait3A_141 = arith.constant 0 : i32
    %dma_wait3A_142 = tpu.memref_slice %arg4[%mul3A_135, %dma_wait3A_141] : memref<917504x128xf32, #tpu.memory_space<hbm>> -> memref<50x64xf32, #tpu.memory_space<hbm>>
    %dma_wait3A_143 = arith.constant 350 : i32
    %dma_wait3A_144 = arith.constant 0 : i32
    %dma_wait3A_145 = tpu.memref_slice %arg7[%dma_wait3A_143, %dma_wait3A_144] : memref<400x64xf32, #tpu.memory_space<vmem>> -> memref<50x64xf32, #tpu.memory_space<vmem>>
    tpu.wait_dma2 semaphore(%arg13 : memref<!tpu.dma_semaphore, #tpu.memory_space<semaphore_mem>>) src(%dma_wait3A_145 : memref<50x64xf32, #tpu.memory_space<vmem>>) dst(%dma_wait3A_142 : memref<50x64xf32, #tpu.memory_space<hbm>>)
    %add3A_146 = arith.constant 496 : i32
    %add3A_147 = arith.addi %mul3A_4, %add3A_146 : i32
    %add3A_148 = arith.constant 0 : i32
    %add3A_149 = arith.addi %add3A_147, %add3A_148 : i32
    %mul3A_150 = arith.constant 56 : i32
    %mul3A_151 = arith.muli %add3A_149, %mul3A_150 : i32
    %dma_wait3A_152 = arith.constant 0 : i32
    %dma_wait3A_153 = arith.constant 0 : i32
    %dma_wait3A_154 = tpu.memref_slice %arg8[%dma_wait3A_152, %dma_wait3A_153] : memref<400x64xf32, #tpu.memory_space<vmem>> -> memref<50x64xf32, #tpu.memory_space<vmem>>
    %dma_wait3A_155 = arith.constant 0 : i32
    %dma_wait3A_156 = tpu.memref_slice %arg4[%mul3A_151, %dma_wait3A_155] : memref<917504x128xf32, #tpu.memory_space<hbm>> -> memref<50x64xf32, #tpu.memory_space<hbm>>
    %dma_wait3A_157 = arith.constant 0 : i32
    %dma_wait3A_158 = tpu.memref_slice %arg4[%mul3A_151, %dma_wait3A_157] : memref<917504x128xf32, #tpu.memory_space<hbm>> -> memref<50x64xf32, #tpu.memory_space<hbm>>
    %dma_wait3A_159 = arith.constant 0 : i32
    %dma_wait3A_160 = arith.constant 0 : i32
    %dma_wait3A_161 = tpu.memref_slice %arg8[%dma_wait3A_159, %dma_wait3A_160] : memref<400x64xf32, #tpu.memory_space<vmem>> -> memref<50x64xf32, #tpu.memory_space<vmem>>
    tpu.wait_dma2 semaphore(%arg14 : memref<!tpu.dma_semaphore, #tpu.memory_space<semaphore_mem>>) src(%dma_wait3A_161 : memref<50x64xf32, #tpu.memory_space<vmem>>) dst(%dma_wait3A_158 : memref<50x64xf32, #tpu.memory_space<hbm>>)
    %add3A_162 = arith.constant 496 : i32
    %add3A_163 = arith.addi %mul3A_4, %add3A_162 : i32
    %add3A_164 = arith.constant 1 : i32
    %add3A_165 = arith.addi %add3A_163, %add3A_164 : i32
    %mul3A_166 = arith.constant 56 : i32
    %mul3A_167 = arith.muli %add3A_165, %mul3A_166 : i32
    %dma_wait3A_168 = arith.constant 50 : i32
    %dma_wait3A_169 = arith.constant 0 : i32
    %dma_wait3A_170 = tpu.memref_slice %arg8[%dma_wait3A_168, %dma_wait3A_169] : memref<400x64xf32, #tpu.memory_space<vmem>> -> memref<50x64xf32, #tpu.memory_space<vmem>>
    %dma_wait3A_171 = arith.constant 0 : i32
    %dma_wait3A_172 = tpu.memref_slice %arg4[%mul3A_167, %dma_wait3A_171] : memref<917504x128xf32, #tpu.memory_space<hbm>> -> memref<50x64xf32, #tpu.memory_space<hbm>>
    %dma_wait3A_173 = arith.constant 0 : i32
    %dma_wait3A_174 = tpu.memref_slice %arg4[%mul3A_167, %dma_wait3A_173] : memref<917504x128xf32, #tpu.memory_space<hbm>> -> memref<50x64xf32, #tpu.memory_space<hbm>>
    %dma_wait3A_175 = arith.constant 50 : i32
    %dma_wait3A_176 = arith.constant 0 : i32
    %dma_wait3A_177 = tpu.memref_slice %arg8[%dma_wait3A_175, %dma_wait3A_176] : memref<400x64xf32, #tpu.memory_space<vmem>> -> memref<50x64xf32, #tpu.memory_space<vmem>>
    tpu.wait_dma2 semaphore(%arg14 : memref<!tpu.dma_semaphore, #tpu.memory_space<semaphore_mem>>) src(%dma_wait3A_177 : memref<50x64xf32, #tpu.memory_space<vmem>>) dst(%dma_wait3A_174 : memref<50x64xf32, #tpu.memory_space<hbm>>)
    %add3A_178 = arith.constant 496 : i32
    %add3A_179 = arith.addi %mul3A_4, %add3A_178 : i32
    %add3A_180 = arith.constant 2 : i32
    %add3A_181 = arith.addi %add3A_179, %add3A_180 : i32
    %mul3A_182 = arith.constant 56 : i32
    %mul3A_183 = arith.muli %add3A_181, %mul3A_182 : i32
    %dma_wait3A_184 = arith.constant 100 : i32
    %dma_wait3A_185 = arith.constant 0 : i32
    %dma_wait3A_186 = tpu.memref_slice %arg8[%dma_wait3A_184, %dma_wait3A_185] : memref<400x64xf32, #tpu.memory_space<vmem>> -> memref<50x64xf32, #tpu.memory_space<vmem>>
    %dma_wait3A_187 = arith.constant 0 : i32
    %dma_wait3A_188 = tpu.memref_slice %arg4[%mul3A_183, %dma_wait3A_187] : memref<917504x128xf32, #tpu.memory_space<hbm>> -> memref<50x64xf32, #tpu.memory_space<hbm>>
    %dma_wait3A_189 = arith.constant 0 : i32
    %dma_wait3A_190 = tpu.memref_slice %arg4[%mul3A_183, %dma_wait3A_189] : memref<917504x128xf32, #tpu.memory_space<hbm>> -> memref<50x64xf32, #tpu.memory_space<hbm>>
    %dma_wait3A_191 = arith.constant 100 : i32
    %dma_wait3A_192 = arith.constant 0 : i32
    %dma_wait3A_193 = tpu.memref_slice %arg8[%dma_wait3A_191, %dma_wait3A_192] : memref<400x64xf32, #tpu.memory_space<vmem>> -> memref<50x64xf32, #tpu.memory_space<vmem>>
    tpu.wait_dma2 semaphore(%arg14 : memref<!tpu.dma_semaphore, #tpu.memory_space<semaphore_mem>>) src(%dma_wait3A_193 : memref<50x64xf32, #tpu.memory_space<vmem>>) dst(%dma_wait3A_190 : memref<50x64xf32, #tpu.memory_space<hbm>>)
    %add3A_194 = arith.constant 496 : i32
    %add3A_195 = arith.addi %mul3A_4, %add3A_194 : i32
    %add3A_196 = arith.constant 3 : i32
    %add3A_197 = arith.addi %add3A_195, %add3A_196 : i32
    %mul3A_198 = arith.constant 56 : i32
    %mul3A_199 = arith.muli %add3A_197, %mul3A_198 : i32
    %dma_wait3A_200 = arith.constant 150 : i32
    %dma_wait3A_201 = arith.constant 0 : i32
    %dma_wait3A_202 = tpu.memref_slice %arg8[%dma_wait3A_200, %dma_wait3A_201] : memref<400x64xf32, #tpu.memory_space<vmem>> -> memref<50x64xf32, #tpu.memory_space<vmem>>
    %dma_wait3A_203 = arith.constant 0 : i32
    %dma_wait3A_204 = tpu.memref_slice %arg4[%mul3A_199, %dma_wait3A_203] : memref<917504x128xf32, #tpu.memory_space<hbm>> -> memref<50x64xf32, #tpu.memory_space<hbm>>
    %dma_wait3A_205 = arith.constant 0 : i32
    %dma_wait3A_206 = tpu.memref_slice %arg4[%mul3A_199, %dma_wait3A_205] : memref<917504x128xf32, #tpu.memory_space<hbm>> -> memref<50x64xf32, #tpu.memory_space<hbm>>
    %dma_wait3A_207 = arith.constant 150 : i32
    %dma_wait3A_208 = arith.constant 0 : i32
    %dma_wait3A_209 = tpu.memref_slice %arg8[%dma_wait3A_207, %dma_wait3A_208] : memref<400x64xf32, #tpu.memory_space<vmem>> -> memref<50x64xf32, #tpu.memory_space<vmem>>
    tpu.wait_dma2 semaphore(%arg14 : memref<!tpu.dma_semaphore, #tpu.memory_space<semaphore_mem>>) src(%dma_wait3A_209 : memref<50x64xf32, #tpu.memory_space<vmem>>) dst(%dma_wait3A_206 : memref<50x64xf32, #tpu.memory_space<hbm>>)
    %add3A_210 = arith.constant 496 : i32
    %add3A_211 = arith.addi %mul3A_4, %add3A_210 : i32
    %add3A_212 = arith.constant 4 : i32
    %add3A_213 = arith.addi %add3A_211, %add3A_212 : i32
    %mul3A_214 = arith.constant 56 : i32
    %mul3A_215 = arith.muli %add3A_213, %mul3A_214 : i32
    %dma_wait3A_216 = arith.constant 200 : i32
    %dma_wait3A_217 = arith.constant 0 : i32
    %dma_wait3A_218 = tpu.memref_slice %arg8[%dma_wait3A_216, %dma_wait3A_217] : memref<400x64xf32, #tpu.memory_space<vmem>> -> memref<50x64xf32, #tpu.memory_space<vmem>>
    %dma_wait3A_219 = arith.constant 0 : i32
    %dma_wait3A_220 = tpu.memref_slice %arg4[%mul3A_215, %dma_wait3A_219] : memref<917504x128xf32, #tpu.memory_space<hbm>> -> memref<50x64xf32, #tpu.memory_space<hbm>>
    %dma_wait3A_221 = arith.constant 0 : i32
    %dma_wait3A_222 = tpu.memref_slice %arg4[%mul3A_215, %dma_wait3A_221] : memref<917504x128xf32, #tpu.memory_space<hbm>> -> memref<50x64xf32, #tpu.memory_space<hbm>>
    %dma_wait3A_223 = arith.constant 200 : i32
    %dma_wait3A_224 = arith.constant 0 : i32
    %dma_wait3A_225 = tpu.memref_slice %arg8[%dma_wait3A_223, %dma_wait3A_224] : memref<400x64xf32, #tpu.memory_space<vmem>> -> memref<50x64xf32, #tpu.memory_space<vmem>>
    tpu.wait_dma2 semaphore(%arg14 : memref<!tpu.dma_semaphore, #tpu.memory_space<semaphore_mem>>) src(%dma_wait3A_225 : memref<50x64xf32, #tpu.memory_space<vmem>>) dst(%dma_wait3A_222 : memref<50x64xf32, #tpu.memory_space<hbm>>)
    %add3A_226 = arith.constant 496 : i32
    %add3A_227 = arith.addi %mul3A_4, %add3A_226 : i32
    %add3A_228 = arith.constant 5 : i32
    %add3A_229 = arith.addi %add3A_227, %add3A_228 : i32
    %mul3A_230 = arith.constant 56 : i32
    %mul3A_231 = arith.muli %add3A_229, %mul3A_230 : i32
    %dma_wait3A_232 = arith.constant 250 : i32
    %dma_wait3A_233 = arith.constant 0 : i32
    %dma_wait3A_234 = tpu.memref_slice %arg8[%dma_wait3A_232, %dma_wait3A_233] : memref<400x64xf32, #tpu.memory_space<vmem>> -> memref<50x64xf32, #tpu.memory_space<vmem>>
    %dma_wait3A_235 = arith.constant 0 : i32
    %dma_wait3A_236 = tpu.memref_slice %arg4[%mul3A_231, %dma_wait3A_235] : memref<917504x128xf32, #tpu.memory_space<hbm>> -> memref<50x64xf32, #tpu.memory_space<hbm>>
    %dma_wait3A_237 = arith.constant 0 : i32
    %dma_wait3A_238 = tpu.memref_slice %arg4[%mul3A_231, %dma_wait3A_237] : memref<917504x128xf32, #tpu.memory_space<hbm>> -> memref<50x64xf32, #tpu.memory_space<hbm>>
    %dma_wait3A_239 = arith.constant 250 : i32
    %dma_wait3A_240 = arith.constant 0 : i32
    %dma_wait3A_241 = tpu.memref_slice %arg8[%dma_wait3A_239, %dma_wait3A_240] : memref<400x64xf32, #tpu.memory_space<vmem>> -> memref<50x64xf32, #tpu.memory_space<vmem>>
    tpu.wait_dma2 semaphore(%arg14 : memref<!tpu.dma_semaphore, #tpu.memory_space<semaphore_mem>>) src(%dma_wait3A_241 : memref<50x64xf32, #tpu.memory_space<vmem>>) dst(%dma_wait3A_238 : memref<50x64xf32, #tpu.memory_space<hbm>>)
    %add3A_242 = arith.constant 496 : i32
    %add3A_243 = arith.addi %mul3A_4, %add3A_242 : i32
    %add3A_244 = arith.constant 6 : i32
    %add3A_245 = arith.addi %add3A_243, %add3A_244 : i32
    %mul3A_246 = arith.constant 56 : i32
    %mul3A_247 = arith.muli %add3A_245, %mul3A_246 : i32
    %dma_wait3A_248 = arith.constant 300 : i32
    %dma_wait3A_249 = arith.constant 0 : i32
    %dma_wait3A_250 = tpu.memref_slice %arg8[%dma_wait3A_248, %dma_wait3A_249] : memref<400x64xf32, #tpu.memory_space<vmem>> -> memref<50x64xf32, #tpu.memory_space<vmem>>
    %dma_wait3A_251 = arith.constant 0 : i32
    %dma_wait3A_252 = tpu.memref_slice %arg4[%mul3A_247, %dma_wait3A_251] : memref<917504x128xf32, #tpu.memory_space<hbm>> -> memref<50x64xf32, #tpu.memory_space<hbm>>
    %dma_wait3A_253 = arith.constant 0 : i32
    %dma_wait3A_254 = tpu.memref_slice %arg4[%mul3A_247, %dma_wait3A_253] : memref<917504x128xf32, #tpu.memory_space<hbm>> -> memref<50x64xf32, #tpu.memory_space<hbm>>
    %dma_wait3A_255 = arith.constant 300 : i32
    %dma_wait3A_256 = arith.constant 0 : i32
    %dma_wait3A_257 = tpu.memref_slice %arg8[%dma_wait3A_255, %dma_wait3A_256] : memref<400x64xf32, #tpu.memory_space<vmem>> -> memref<50x64xf32, #tpu.memory_space<vmem>>
    tpu.wait_dma2 semaphore(%arg14 : memref<!tpu.dma_semaphore, #tpu.memory_space<semaphore_mem>>) src(%dma_wait3A_257 : memref<50x64xf32, #tpu.memory_space<vmem>>) dst(%dma_wait3A_254 : memref<50x64xf32, #tpu.memory_space<hbm>>)
    %add3A_258 = arith.constant 496 : i32
    %add3A_259 = arith.addi %mul3A_4, %add3A_258 : i32
    %add3A_260 = arith.constant 7 : i32
    %add3A_261 = arith.addi %add3A_259, %add3A_260 : i32
    %mul3A_262 = arith.constant 56 : i32
    %mul3A_263 = arith.muli %add3A_261, %mul3A_262 : i32
    %dma_wait3A_264 = arith.constant 350 : i32
    %dma_wait3A_265 = arith.constant 0 : i32
    %dma_wait3A_266 = tpu.memref_slice %arg8[%dma_wait3A_264, %dma_wait3A_265] : memref<400x64xf32, #tpu.memory_space<vmem>> -> memref<50x64xf32, #tpu.memory_space<vmem>>
    %dma_wait3A_267 = arith.constant 0 : i32
    %dma_wait3A_268 = tpu.memref_slice %arg4[%mul3A_263, %dma_wait3A_267] : memref<917504x128xf32, #tpu.memory_space<hbm>> -> memref<50x64xf32, #tpu.memory_space<hbm>>
    %dma_wait3A_269 = arith.constant 0 : i32
    %dma_wait3A_270 = tpu.memref_slice %arg4[%mul3A_263, %dma_wait3A_269] : memref<917504x128xf32, #tpu.memory_space<hbm>> -> memref<50x64xf32, #tpu.memory_space<hbm>>
    %dma_wait3A_271 = arith.constant 350 : i32
    %dma_wait3A_272 = arith.constant 0 : i32
    %dma_wait3A_273 = tpu.memref_slice %arg8[%dma_wait3A_271, %dma_wait3A_272] : memref<400x64xf32, #tpu.memory_space<vmem>> -> memref<50x64xf32, #tpu.memory_space<vmem>>
    tpu.wait_dma2 semaphore(%arg14 : memref<!tpu.dma_semaphore, #tpu.memory_space<semaphore_mem>>) src(%dma_wait3A_273 : memref<50x64xf32, #tpu.memory_space<vmem>>) dst(%dma_wait3A_270 : memref<50x64xf32, #tpu.memory_space<hbm>>)
    %add3A_274 = arith.constant 504 : i32
    %add3A_275 = arith.addi %mul3A_4, %add3A_274 : i32
    %add3A_276 = arith.constant 0 : i32
    %add3A_277 = arith.addi %add3A_275, %add3A_276 : i32
    %mul3A_278 = arith.constant 56 : i32
    %mul3A_279 = arith.muli %add3A_277, %mul3A_278 : i32
    %dma_wait3A_280 = arith.constant 0 : i32
    %dma_wait3A_281 = arith.constant 0 : i32
    %dma_wait3A_282 = tpu.memref_slice %arg6[%dma_wait3A_280, %dma_wait3A_281] : memref<400x64xf32, #tpu.memory_space<vmem>> -> memref<50x64xf32, #tpu.memory_space<vmem>>
    %dma_wait3A_283 = arith.constant 0 : i32
    %dma_wait3A_284 = tpu.memref_slice %arg4[%mul3A_279, %dma_wait3A_283] : memref<917504x128xf32, #tpu.memory_space<hbm>> -> memref<50x64xf32, #tpu.memory_space<hbm>>
    %dma_wait3A_285 = arith.constant 0 : i32
    %dma_wait3A_286 = tpu.memref_slice %arg4[%mul3A_279, %dma_wait3A_285] : memref<917504x128xf32, #tpu.memory_space<hbm>> -> memref<50x64xf32, #tpu.memory_space<hbm>>
    %dma_wait3A_287 = arith.constant 0 : i32
    %dma_wait3A_288 = arith.constant 0 : i32
    %dma_wait3A_289 = tpu.memref_slice %arg6[%dma_wait3A_287, %dma_wait3A_288] : memref<400x64xf32, #tpu.memory_space<vmem>> -> memref<50x64xf32, #tpu.memory_space<vmem>>
    tpu.wait_dma2 semaphore(%arg12 : memref<!tpu.dma_semaphore, #tpu.memory_space<semaphore_mem>>) src(%dma_wait3A_289 : memref<50x64xf32, #tpu.memory_space<vmem>>) dst(%dma_wait3A_286 : memref<50x64xf32, #tpu.memory_space<hbm>>)
    %add3A_290 = arith.constant 504 : i32
    %add3A_291 = arith.addi %mul3A_4, %add3A_290 : i32
    %add3A_292 = arith.constant 1 : i32
    %add3A_293 = arith.addi %add3A_291, %add3A_292 : i32
    %mul3A_294 = arith.constant 56 : i32
    %mul3A_295 = arith.muli %add3A_293, %mul3A_294 : i32
    %dma_wait3A_296 = arith.constant 50 : i32
    %dma_wait3A_297 = arith.constant 0 : i32
    %dma_wait3A_298 = tpu.memref_slice %arg6[%dma_wait3A_296, %dma_wait3A_297] : memref<400x64xf32, #tpu.memory_space<vmem>> -> memref<50x64xf32, #tpu.memory_space<vmem>>
    %dma_wait3A_299 = arith.constant 0 : i32
    %dma_wait3A_300 = tpu.memref_slice %arg4[%mul3A_295, %dma_wait3A_299] : memref<917504x128xf32, #tpu.memory_space<hbm>> -> memref<50x64xf32, #tpu.memory_space<hbm>>
    %dma_wait3A_301 = arith.constant 0 : i32
    %dma_wait3A_302 = tpu.memref_slice %arg4[%mul3A_295, %dma_wait3A_301] : memref<917504x128xf32, #tpu.memory_space<hbm>> -> memref<50x64xf32, #tpu.memory_space<hbm>>
    %dma_wait3A_303 = arith.constant 50 : i32
    %dma_wait3A_304 = arith.constant 0 : i32
    %dma_wait3A_305 = tpu.memref_slice %arg6[%dma_wait3A_303, %dma_wait3A_304] : memref<400x64xf32, #tpu.memory_space<vmem>> -> memref<50x64xf32, #tpu.memory_space<vmem>>
    tpu.wait_dma2 semaphore(%arg12 : memref<!tpu.dma_semaphore, #tpu.memory_space<semaphore_mem>>) src(%dma_wait3A_305 : memref<50x64xf32, #tpu.memory_space<vmem>>) dst(%dma_wait3A_302 : memref<50x64xf32, #tpu.memory_space<hbm>>)
    %add3A_306 = arith.constant 504 : i32
    %add3A_307 = arith.addi %mul3A_4, %add3A_306 : i32
    %add3A_308 = arith.constant 2 : i32
    %add3A_309 = arith.addi %add3A_307, %add3A_308 : i32
    %mul3A_310 = arith.constant 56 : i32
    %mul3A_311 = arith.muli %add3A_309, %mul3A_310 : i32
    %dma_wait3A_312 = arith.constant 100 : i32
    %dma_wait3A_313 = arith.constant 0 : i32
    %dma_wait3A_314 = tpu.memref_slice %arg6[%dma_wait3A_312, %dma_wait3A_313] : memref<400x64xf32, #tpu.memory_space<vmem>> -> memref<50x64xf32, #tpu.memory_space<vmem>>
    %dma_wait3A_315 = arith.constant 0 : i32
    %dma_wait3A_316 = tpu.memref_slice %arg4[%mul3A_311, %dma_wait3A_315] : memref<917504x128xf32, #tpu.memory_space<hbm>> -> memref<50x64xf32, #tpu.memory_space<hbm>>
    %dma_wait3A_317 = arith.constant 0 : i32
    %dma_wait3A_318 = tpu.memref_slice %arg4[%mul3A_311, %dma_wait3A_317] : memref<917504x128xf32, #tpu.memory_space<hbm>> -> memref<50x64xf32, #tpu.memory_space<hbm>>
    %dma_wait3A_319 = arith.constant 100 : i32
    %dma_wait3A_320 = arith.constant 0 : i32
    %dma_wait3A_321 = tpu.memref_slice %arg6[%dma_wait3A_319, %dma_wait3A_320] : memref<400x64xf32, #tpu.memory_space<vmem>> -> memref<50x64xf32, #tpu.memory_space<vmem>>
    tpu.wait_dma2 semaphore(%arg12 : memref<!tpu.dma_semaphore, #tpu.memory_space<semaphore_mem>>) src(%dma_wait3A_321 : memref<50x64xf32, #tpu.memory_space<vmem>>) dst(%dma_wait3A_318 : memref<50x64xf32, #tpu.memory_space<hbm>>)
    %add3A_322 = arith.constant 504 : i32
    %add3A_323 = arith.addi %mul3A_4, %add3A_322 : i32
    %add3A_324 = arith.constant 3 : i32
    %add3A_325 = arith.addi %add3A_323, %add3A_324 : i32
    %mul3A_326 = arith.constant 56 : i32
    %mul3A_327 = arith.muli %add3A_325, %mul3A_326 : i32
    %dma_wait3A_328 = arith.constant 150 : i32
    %dma_wait3A_329 = arith.constant 0 : i32
    %dma_wait3A_330 = tpu.memref_slice %arg6[%dma_wait3A_328, %dma_wait3A_329] : memref<400x64xf32, #tpu.memory_space<vmem>> -> memref<50x64xf32, #tpu.memory_space<vmem>>
    %dma_wait3A_331 = arith.constant 0 : i32
    %dma_wait3A_332 = tpu.memref_slice %arg4[%mul3A_327, %dma_wait3A_331] : memref<917504x128xf32, #tpu.memory_space<hbm>> -> memref<50x64xf32, #tpu.memory_space<hbm>>
    %dma_wait3A_333 = arith.constant 0 : i32
    %dma_wait3A_334 = tpu.memref_slice %arg4[%mul3A_327, %dma_wait3A_333] : memref<917504x128xf32, #tpu.memory_space<hbm>> -> memref<50x64xf32, #tpu.memory_space<hbm>>
    %dma_wait3A_335 = arith.constant 150 : i32
    %dma_wait3A_336 = arith.constant 0 : i32
    %dma_wait3A_337 = tpu.memref_slice %arg6[%dma_wait3A_335, %dma_wait3A_336] : memref<400x64xf32, #tpu.memory_space<vmem>> -> memref<50x64xf32, #tpu.memory_space<vmem>>
    tpu.wait_dma2 semaphore(%arg12 : memref<!tpu.dma_semaphore, #tpu.memory_space<semaphore_mem>>) src(%dma_wait3A_337 : memref<50x64xf32, #tpu.memory_space<vmem>>) dst(%dma_wait3A_334 : memref<50x64xf32, #tpu.memory_space<hbm>>)
    %add3A_338 = arith.constant 504 : i32
    %add3A_339 = arith.addi %mul3A_4, %add3A_338 : i32
    %add3A_340 = arith.constant 4 : i32
    %add3A_341 = arith.addi %add3A_339, %add3A_340 : i32
    %mul3A_342 = arith.constant 56 : i32
    %mul3A_343 = arith.muli %add3A_341, %mul3A_342 : i32
    %dma_wait3A_344 = arith.constant 200 : i32
    %dma_wait3A_345 = arith.constant 0 : i32
    %dma_wait3A_346 = tpu.memref_slice %arg6[%dma_wait3A_344, %dma_wait3A_345] : memref<400x64xf32, #tpu.memory_space<vmem>> -> memref<50x64xf32, #tpu.memory_space<vmem>>
    %dma_wait3A_347 = arith.constant 0 : i32
    %dma_wait3A_348 = tpu.memref_slice %arg4[%mul3A_343, %dma_wait3A_347] : memref<917504x128xf32, #tpu.memory_space<hbm>> -> memref<50x64xf32, #tpu.memory_space<hbm>>
    %dma_wait3A_349 = arith.constant 0 : i32
    %dma_wait3A_350 = tpu.memref_slice %arg4[%mul3A_343, %dma_wait3A_349] : memref<917504x128xf32, #tpu.memory_space<hbm>> -> memref<50x64xf32, #tpu.memory_space<hbm>>
    %dma_wait3A_351 = arith.constant 200 : i32
    %dma_wait3A_352 = arith.constant 0 : i32
    %dma_wait3A_353 = tpu.memref_slice %arg6[%dma_wait3A_351, %dma_wait3A_352] : memref<400x64xf32, #tpu.memory_space<vmem>> -> memref<50x64xf32, #tpu.memory_space<vmem>>
    tpu.wait_dma2 semaphore(%arg12 : memref<!tpu.dma_semaphore, #tpu.memory_space<semaphore_mem>>) src(%dma_wait3A_353 : memref<50x64xf32, #tpu.memory_space<vmem>>) dst(%dma_wait3A_350 : memref<50x64xf32, #tpu.memory_space<hbm>>)
    %add3A_354 = arith.constant 504 : i32
    %add3A_355 = arith.addi %mul3A_4, %add3A_354 : i32
    %add3A_356 = arith.constant 5 : i32
    %add3A_357 = arith.addi %add3A_355, %add3A_356 : i32
    %mul3A_358 = arith.constant 56 : i32
    %mul3A_359 = arith.muli %add3A_357, %mul3A_358 : i32
    %dma_wait3A_360 = arith.constant 250 : i32
    %dma_wait3A_361 = arith.constant 0 : i32
    %dma_wait3A_362 = tpu.memref_slice %arg6[%dma_wait3A_360, %dma_wait3A_361] : memref<400x64xf32, #tpu.memory_space<vmem>> -> memref<50x64xf32, #tpu.memory_space<vmem>>
    %dma_wait3A_363 = arith.constant 0 : i32
    %dma_wait3A_364 = tpu.memref_slice %arg4[%mul3A_359, %dma_wait3A_363] : memref<917504x128xf32, #tpu.memory_space<hbm>> -> memref<50x64xf32, #tpu.memory_space<hbm>>
    %dma_wait3A_365 = arith.constant 0 : i32
    %dma_wait3A_366 = tpu.memref_slice %arg4[%mul3A_359, %dma_wait3A_365] : memref<917504x128xf32, #tpu.memory_space<hbm>> -> memref<50x64xf32, #tpu.memory_space<hbm>>
    %dma_wait3A_367 = arith.constant 250 : i32
    %dma_wait3A_368 = arith.constant 0 : i32
    %dma_wait3A_369 = tpu.memref_slice %arg6[%dma_wait3A_367, %dma_wait3A_368] : memref<400x64xf32, #tpu.memory_space<vmem>> -> memref<50x64xf32, #tpu.memory_space<vmem>>
    tpu.wait_dma2 semaphore(%arg12 : memref<!tpu.dma_semaphore, #tpu.memory_space<semaphore_mem>>) src(%dma_wait3A_369 : memref<50x64xf32, #tpu.memory_space<vmem>>) dst(%dma_wait3A_366 : memref<50x64xf32, #tpu.memory_space<hbm>>)
    %add3A_370 = arith.constant 504 : i32
    %add3A_371 = arith.addi %mul3A_4, %add3A_370 : i32
    %add3A_372 = arith.constant 6 : i32
    %add3A_373 = arith.addi %add3A_371, %add3A_372 : i32
    %mul3A_374 = arith.constant 56 : i32
    %mul3A_375 = arith.muli %add3A_373, %mul3A_374 : i32
    %dma_wait3A_376 = arith.constant 300 : i32
    %dma_wait3A_377 = arith.constant 0 : i32
    %dma_wait3A_378 = tpu.memref_slice %arg6[%dma_wait3A_376, %dma_wait3A_377] : memref<400x64xf32, #tpu.memory_space<vmem>> -> memref<50x64xf32, #tpu.memory_space<vmem>>
    %dma_wait3A_379 = arith.constant 0 : i32
    %dma_wait3A_380 = tpu.memref_slice %arg4[%mul3A_375, %dma_wait3A_379] : memref<917504x128xf32, #tpu.memory_space<hbm>> -> memref<50x64xf32, #tpu.memory_space<hbm>>
    %dma_wait3A_381 = arith.constant 0 : i32
    %dma_wait3A_382 = tpu.memref_slice %arg4[%mul3A_375, %dma_wait3A_381] : memref<917504x128xf32, #tpu.memory_space<hbm>> -> memref<50x64xf32, #tpu.memory_space<hbm>>
    %dma_wait3A_383 = arith.constant 300 : i32
    %dma_wait3A_384 = arith.constant 0 : i32
    %dma_wait3A_385 = tpu.memref_slice %arg6[%dma_wait3A_383, %dma_wait3A_384] : memref<400x64xf32, #tpu.memory_space<vmem>> -> memref<50x64xf32, #tpu.memory_space<vmem>>
    tpu.wait_dma2 semaphore(%arg12 : memref<!tpu.dma_semaphore, #tpu.memory_space<semaphore_mem>>) src(%dma_wait3A_385 : memref<50x64xf32, #tpu.memory_space<vmem>>) dst(%dma_wait3A_382 : memref<50x64xf32, #tpu.memory_space<hbm>>)
    %add3A_386 = arith.constant 504 : i32
    %add3A_387 = arith.addi %mul3A_4, %add3A_386 : i32
    %add3A_388 = arith.constant 7 : i32
    %add3A_389 = arith.addi %add3A_387, %add3A_388 : i32
    %mul3A_390 = arith.constant 56 : i32
    %mul3A_391 = arith.muli %add3A_389, %mul3A_390 : i32
    %dma_wait3A_392 = arith.constant 350 : i32
    %dma_wait3A_393 = arith.constant 0 : i32
    %dma_wait3A_394 = tpu.memref_slice %arg6[%dma_wait3A_392, %dma_wait3A_393] : memref<400x64xf32, #tpu.memory_space<vmem>> -> memref<50x64xf32, #tpu.memory_space<vmem>>
    %dma_wait3A_395 = arith.constant 0 : i32
    %dma_wait3A_396 = tpu.memref_slice %arg4[%mul3A_391, %dma_wait3A_395] : memref<917504x128xf32, #tpu.memory_space<hbm>> -> memref<50x64xf32, #tpu.memory_space<hbm>>
    %dma_wait3A_397 = arith.constant 0 : i32
    %dma_wait3A_398 = tpu.memref_slice %arg4[%mul3A_391, %dma_wait3A_397] : memref<917504x128xf32, #tpu.memory_space<hbm>> -> memref<50x64xf32, #tpu.memory_space<hbm>>
    %dma_wait3A_399 = arith.constant 350 : i32
    %dma_wait3A_400 = arith.constant 0 : i32
    %dma_wait3A_401 = tpu.memref_slice %arg6[%dma_wait3A_399, %dma_wait3A_400] : memref<400x64xf32, #tpu.memory_space<vmem>> -> memref<50x64xf32, #tpu.memory_space<vmem>>
    tpu.wait_dma2 semaphore(%arg12 : memref<!tpu.dma_semaphore, #tpu.memory_space<semaphore_mem>>) src(%dma_wait3A_401 : memref<50x64xf32, #tpu.memory_space<vmem>>) dst(%dma_wait3A_398 : memref<50x64xf32, #tpu.memory_space<hbm>>)
    return
  }
}

module attributes {stable_mosaic.version = 14 : i64} {
  func.func @_tr_body(%arg0: i32, %arg1: memref<64x8192xf32, #tpu.memory_space<vmem>>, %arg2: memref<8192x128xf32, #tpu.memory_space<vmem>>) attributes {dimension_semantics = [#tpu.dimension_semantics<arbitrary>], iteration_bounds = array<i64: 123>, scalar_prefetch = 0 : i64, scratch_operands = 0 : i64, tpu.core_type = #tpu.core_type<tc>, window_params = [{transform_indices = @transform_0, window_bounds = array<i64: 64, 8192>}, {transform_indices = @transform_1, window_bounds = array<i64: 8192, 128>}]} {
    %get3A = arith.constant 0 : index
    %get3A_0 = arith.constant 0 : index
    %get3A_1 = vector.load %arg1[%get3A, %get3A_0] : memref<64x8192xf32, #tpu.memory_space<vmem>>, vector<64x8192xf32>
    %transpose3A = tpu.transpose %get3A_1, [1, 0] : vector<64x8192xf32> -> vector<8192x64xf32>
    %swap3A = arith.constant 0 : index
    %swap3A_2 = arith.constant 0 : index
    %swap3A_3 = vector.load %arg2[%swap3A, %swap3A_2] : memref<8192x128xf32, #tpu.memory_space<vmem>>, vector<8192x64xf32>
    tpu.vector_store %arg2[%swap3A, %swap3A_2], %transpose3A {strides = array<i32>} : memref<8192x128xf32, #tpu.memory_space<vmem>>, vector<8192x64xf32>,
    %broadcast_in_dim3A = arith.constant 0.000000e+00 : f32
    %broadcast_in_dim3A_4 = vector.broadcast %broadcast_in_dim3A : f32 to vector<8192x64xf32>
    %swap3A_5 = arith.constant 0 : index
    %swap3A_6 = arith.constant 64 : index
    %swap3A_7 = vector.load %arg2[%swap3A_5, %swap3A_6] : memref<8192x128xf32, #tpu.memory_space<vmem>>, vector<8192x64xf32>
    tpu.vector_store %arg2[%swap3A_5, %swap3A_6], %broadcast_in_dim3A_4 {strides = array<i32>} : memref<8192x128xf32, #tpu.memory_space<vmem>>, vector<8192x64xf32>,
    return
  }
  func.func @transform_0(%arg0: i32) -> (i32, i32) {
    %c0_i32 = arith.constant 0 : i32
    %c0_i32_0 = arith.constant 0 : i32
    return %c0_i32, %arg0 : i32, i32
  }
  func.func @transform_1(%arg0: i32) -> (i32, i32) {
    %c0_i32 = arith.constant 0 : i32
    %c0_i32_0 = arith.constant 0 : i32
    return %arg0, %c0_i32 : i32, i32
  }
}

</mosaic_0001>

<sc_bundles>
// kernel: kernel.4.cloned.1.call-start
scs
__scs_entry_jumppad:
0x0: {  	(pc) =	sbr.rel $0x88, $3  }
0x1: {  	(tag) =	ssettag $0x0;
	lr =	simm.s32 $0x1  }
0x2: {  	[smem:$0x3F9F] =	sst lr;
	_ =	strace $0xD0000000  }
0x3: {  	_ = 	snop  }
0x4: {  	_ = 	snop  }
0x5: {  	_ = 	snop  }
0x6: {  	_ = 	snop  }
0x7: {  	_ = 	snop  }
__scs_overlays_trampoline_lowered:
0x8: {  	[smem:$0x3FAE] =	sst s0  }
0x9: {  	[smem:$0x3FAF] =	sst s1  }
0xa: {  	[smem:$0x3FB0] =	sst s2  }
0xb: {  	[smem:$0x3FB1] =	sst s3  }
0xc: {  	[smem:$0x3FB2] =	sst s4  }
0xd: {  	[smem:$0x3FB3] =	sst s5  }
0xe: {  	[smem:$0x3FB4] =	sst s6  }
0xf: {  	[smem:$0x3FB5] =	sst s7  }
0x10: {  	[smem:$0x3FB6] =	sst s8  }
0x11: {  	[smem:$0x3FB7] =	sst s9;
	s0 =	simm.s32 @!p0 $0x0  }
0x12: {  	s1 =	sld [smem:$0x3F9D];
	s0 =	simm.s32 @p0 $0x1  }
0x13: {  	[smem:$0x3FB8] =	sst s0;
	s0 =	simm.s32 @!p1 $0x0  }
0x14: {  	s2 =	sld [smem:$0x3F9C];
	s0 =	simm.s32 @p1 $0x1  }
0x15: {  	[smem:$0x3FB9] =	sst s0;
	s0 =	simm.s32 @!p2 $0x0  }
0x16: {  	s3 =	sld [smem:$0x3FDB];
	s0 =	simm.s32 @p2 $0x1  }
0x17: {  	s4 =	simm.s32 $0x1BF5;
	[smem:$0x3FBB] =	sst s0  }
0x18: {  	s0 =	sld [smem:$0x3F9E];
	_ =	swait.ge [sflag:s4], $0x0  }
0x19: {  	s7 =	sld [smem:$0x3F9F]  }
0x1a: {  	s8 =	sadd.s32 $0xFFFFE003, lr  }
0x1b: {  	s9 =	sadd.s32 $0xFFFFFEF7, lr;
	s5 =	simm.s32 $0xFFFFFFFF;
	p2 =	slt.u32 s8, $0xFFFFF086  }
0x1c: {  	p1 =	slt.u32 s9, $0xF7A;
	s5 =	simm.s32 @!p2 $0x0  }
0x1d: {  	s5 =	simm.s32 @p1 $0x1;
	p0 =	seq.s32 s7, s2  }
0x1e: {  	s7 =	smul.u32 @!p0 $0xF7A, s2;
	p2 =	seq.s32 @!p0 s5, $0x0  }
0x1f: {  	s9 =	smul.u32 $0xF7A, s1;
	s8 =	simm.s32 @!p0 $0x1BF5;
	p2 =	por !p2, p0  }
0x20: {  	[sflag:s8] =	ssyncset.s32 @!p0 $0xFFFFF086;
	s6 =	sadd.s32 @!p0 s3, s7;
	s7 =	simm.s32 @!p0 $0x108  }
0x21: {  	s3 =	sadd.s32 s3, s9;
	s6 =	sadd.s32 @!p0 $0x88, s6;
	s7 =	simm.s32 @p2 $0x1082  }
0x22: {  	[simem:s7], [sflag:s8] =	dma.local @!p0 [hbm:s6], $0xF7A  }
0x23: {  	s9 =	sor.u32 $0xD0000000, s2;
	s6 =	simm.s32 $0x108;
	_ =	swait.ge @!p0 [sflag:s8], $0x0  }
0x24: {  	s3 =	sadd.s32 $0x88, s3;
	s6 =	simm.s32 @!p1 $0x1082;
	[sflag:s4] =	ssyncset.s32 $0xFFFFF086  }
0x25: {  	[simem:s6], [sflag:s4] =	dma.local [hbm:s3], $0xF7A  }
0x26: {  	[smem:$0x3F9F] =	sst s1;
	(tag) =	ssettag s2;
	_ =	strace s9  }
0x27: {  	s1 =	sld [smem:$0x3FAF]  }
0x28: {  	s2 =	sld [smem:$0x3FB0]  }
0x29: {  	s4 =	sld [smem:$0x3FB2]  }
0x2a: {  	p0 =	seq.s32 s5, $0x0;
	s5 =	sld [smem:$0x3FB3]  }
0x2b: {  	s6 =	sld [smem:$0x3FB4]  }
0x2c: {  	s7 =	sld [smem:$0x3FB5]  }
0x2d: {  	s3 =	simm.s32 $0x108;
	s8 =	sld [smem:$0x3FB6]  }
0x2e: {  	s3 =	simm.s32 @!p0 $0x1082;
	s9 =	sld [smem:$0x3FB7]  }
0x2f: {  	lr =	sadd.s32 s0, s3;
	s0 =	sld [smem:$0x3FAE]  }
0x30: {  	s3 =	sld [smem:$0x3FB1]  }
0x31: {  	[smem:$0x3FBA] =	sst s10  }
0x32: {  	s10 =	sld [smem:$0x3FB8];
	_ =	sdelay $0x3  }
0x33: {  	p0 =	seq.s32 s10, $0x1;
	s10 =	sld [smem:$0x3FBA];
	_ =	sdelay $0x3  }
0x34: {  	[smem:$0x3FBA] =	sst s10  }
0x35: {  	s10 =	sld [smem:$0x3FB9];
	_ =	sdelay $0x3  }
0x36: {  	p1 =	seq.s32 s10, $0x1;
	s10 =	sld [smem:$0x3FBA];
	_ =	sdelay $0x3  }
0x37: {  	[smem:$0x3FBA] =	sst s10  }
0x38: {  	s10 =	sld [smem:$0x3FBB]  }
0x39: {  	_ = 	snop;
	(pc) =	sbr.ind lr, $3  }
0x3a: {  	_ = 	snop  }
0x3b: {  	_ = 	snop  }
0x3c: {  	p2 =	seq.s32 s10, $0x1;
	s10 =	sld [smem:$0x3FBA]  }
0x3d: {  	_ =	shalt  }
0x3e: {  	_ =	shalt  }
0x3f: {  	_ =	shalt  }
0x40: {  	_ =	shalt  }
0x41: {  	_ =	shalt  }
0x42: {  	_ =	shalt  }
0x43: {  	_ =	shalt  }
0x44: {  	_ =	shalt  }
0x45: {  	_ =	shalt  }
0x46: {  	_ =	shalt  }
0x47: {  	_ =	shalt  }
0x48: {  	_ =	shalt  }
0x49: {  	_ =	shalt  }
0x4a: {  	_ =	shalt  }
0x4b: {  	_ =	shalt  }
0x4c: {  	_ =	shalt  }
0x4d: {  	_ =	shalt  }
0x4e: {  	_ =	shalt  }
0x4f: {  	_ =	shalt  }
0x50: {  	_ =	shalt  }
0x51: {  	_ =	shalt  }
0x52: {  	_ =	shalt  }
0x53: {  	_ =	shalt  }
0x54: {  	_ =	shalt  }
0x55: {  	_ =	shalt  }
0x56: {  	_ =	shalt  }
0x57: {  	_ =	shalt  }
0x58: {  	_ =	shalt  }
0x59: {  	_ =	shalt  }
0x5a: {  	_ =	shalt  }
0x5b: {  	_ =	shalt  }
0x5c: {  	_ =	shalt  }
0x5d: {  	_ =	shalt  }
0x5e: {  	_ =	shalt  }
0x5f: {  	_ =	shalt  }
0x60: {  	_ =	shalt  }
0x61: {  	_ =	shalt  }
0x62: {  	_ =	shalt  }
0x63: {  	_ =	shalt  }
0x64: {  	_ =	shalt  }
0x65: {  	_ =	shalt  }
0x66: {  	_ =	shalt  }
0x67: {  	_ =	shalt  }
0x68: {  	_ =	shalt  }
0x69: {  	_ =	shalt  }
0x6a: {  	_ =	shalt  }
0x6b: {  	_ =	shalt  }
0x6c: {  	_ =	shalt  }
0x6d: {  	_ =	shalt  }
0x6e: {  	_ =	shalt  }
0x6f: {  	_ =	shalt  }
0x70: {  	_ =	shalt  }
0x71: {  	_ =	shalt  }
0x72: {  	_ =	shalt  }
0x73: {  	_ =	shalt  }
0x74: {  	_ =	shalt  }
0x75: {  	_ =	shalt  }
0x76: {  	_ =	shalt  }
0x77: {  	_ =	shalt  }
0x78: {  	_ =	shalt  }
0x79: {  	_ =	shalt  }
0x7a: {  	_ =	shalt  }
0x7b: {  	_ =	shalt  }
0x7c: {  	_ =	shalt  }
0x7d: {  	_ =	shalt  }
0x7e: {  	_ =	shalt  }
0x7f: {  	_ =	shalt  }
0x80: {  	_ =	shalt  }
0x81: {  	_ =	shalt  }
0x82: {  	_ =	shalt  }
0x83: {  	_ =	shalt  }
0x84: {  	_ =	shalt  }
0x85: {  	_ =	shalt  }
0x86: {  	_ =	shalt  }
0x87: {  	_ =	shalt  }
.Lfunc_end0:
.L_simem_size_0:
called_computation.1_lowered:
.L_overlay_start_0:
0x88: {  	s2 =	sld [smem:$0x3FD9]  }
0x89: {  	s3 =	sld [smem:$0x3FFE];
	_ =	sdelay $0x1  }
0x8a: {  	s1 =	srdreg.scid  }
0x8b: {  	s0 =	sand.u32 $0x1, s1  }
0x8c: {  	s17 =	sshll.u32 s0, $0xA;
	s2 =	sadd.s32 s3, s2  }
0x8d: {  	s2 =	sadd.s32 s2, s17  }
0x8e: {  	[smem:$0x3FC6] =	sst s2  }
0x8f: {  	_ = 	snop  }
0x90: {  	s2 =	sld [smem:$0x3FD0];
	(tm) =	ssettm $0x1  }
0x91: {  	s18 =	sld [smem:$0x3FFB];
	_ =	sdelay $0x3  }
0x92: {  	_ =	strace s18  }
0x93: {  	s3 =	sld [smem:$0x3FFC];
	_ =	sdelay $0x3  }
0x94: {  	_ =	strace s3  }
0x95: {  	s3 =	sld [smem:$0x3FFD];
	_ =	sdelay $0x3  }
0x96: {  	_ =	strace s3  }
0x97: {  	_ =	strace $0x8FFFFFFF  }
0x98: {  	s19 =	sld [smem:$0x3FDB];
	_ =	sdelay $0x1  }
0x99: {  	s4 =	simm.s32 $_scs_section_size  }
0x9a: {  	s5 =	simm.s32 $_size__tile_overlayer_lowered;
	s6 =	simm.s32 $_tile_overlayer_lowered  }
0x9b: {  	s22 =	simm.s32 $0x1BFF;
	s21 =	sshll.u32 s6, $0x1;
	s3 =	sadd.s32 s4, s19  }
0x9c: {  	s7 =	simm.s32 $0x0;
	s20 =	sshll.u32 s5, $0x1;
	s5 =	sadd.s32 s21, s3  }
0x9d: {  	[timem:s7], [sflag:s22] =	dma.local [hbm:s5], s20  }
0x9e: {  	_ =	swait.ge [sflag:s22], s20  }
0x9f: {  	s4 =	ssub.s32 $0x0, s20;
	[sflag:s22] =	ssyncset.done $0x0  }
0xa0: {  	[sflag:s22] =	ssyncadd.s32 s4;
	_ =	sdelay $0x1  }
0xa1: {  	s23 =	simm.s32 $0x1B8B  }
0xa2: {  	_ =	swait.ge [sflag:s23], $0x1  }
0xa3: {  	[sflag:s23] =	ssyncset.done $0x0  }
0xa4: {  	s25 =	simm.s32 $0x1B8E;
	s24 =	sld [smem:$0x3FFE];
	[sflag:s23] =	ssyncadd.s32 $0xFFFFFFFF  }
0xa5: {  	s26 =	simm.s32 $execute0_lowered;
	[smem:$0x3FD2] =	sst s25  }
0xa6: {  	s5 =	sshll.u32 s26, $0x1;
	_ =	strace $0x80000046;
	[dreg:$0x1] =	wrdreg $0xFFFFFFFF  }
0xa7: {  	s28 =	simm.s32 $_size_execute0_lowered;
	s3 =	sadd.s32 s3, s5;
	[dreg:$0x0] =	wrdreg $0x0  }
0xa8: {  	s5 =	sshll.u32 s28, $0x1;
	[dreg:$0x2] =	wrdreg s3  }
0xa9: {  	[dreg:$0x3] =	wrdreg s5  }
0xaa: {  	[dreg:$0x4] =	wrdreg $0xC0  }
0xab: {  	_ =	task [dreg:s7], $0x5FFFF  }
0xac: {  	[dreg:$0x1] =	wrdreg $0xFFFFFFFF  }
0xad: {  	[dreg:$0x0] =	wrdreg $0x60  }
0xae: {  	[dreg:$0x2] =	wrdreg s24  }
0xaf: {  	[dreg:$0x3] =	wrdreg s2  }
0xb0: {  	[dreg:$0x4] =	wrdreg $0x9  }
0xb1: {  	_ =	task.clear_ibuf [dreg:s7], $0x5FFFF;
	_ =	strace $0x90000046  }
0xb2: {  	s29 =	simm.s32 $0x9;
	_ =	strace $0x80000048  }
0xb3: {  	_ =	swait.ge [sflag:s29], $0x1  }
0xb4: {  	[sflag:s29] =	ssyncadd.s32 $0xFFFFFFFF  }
0xb5: {  	_ =	strace $0x90000048  }
0xb6: {  	_ =	sfence  }
0xb7: {  	s30 =	sld [smem:$0x0];
	_ =	sdelay $0x2  }
0xb8: {  	s31 =	sshll.u32 s1, $0xD;
	s1 =	sshrl.u32 s1, $0x2  }
0xb9: {  	s3 =	sand.u32 $0x4000, s31;
	s1 =	sadd.s32 s1, s30  }
0xba: {  	s0 =	sor.u32 s3, s0;
	s1 =	sshll.u32 s1, $0x11  }
0xbb: {  	s0 =	sor.u32 s1, s0  }
0xbc: {  	s0 =	sadd.s32 $0x8F2B, s0  }
0xbd: {  	[sflag:s0] =	ssyncadd.remote.s32 $0x1  }
0xbe: {  	_ =	sfence.sel $0xFFFF  }
0xbf: {  	[dreg:$0x0] =	wrdreg $0xFFFFFFFF;
	(pc) =	sbr.abs _section_cstart, $3  }
0xc0: {  	[dreg:$0x1] =	wrdreg $0xFFFFFFFF  }
0xc1: {  	_ =	task.clear_ibuf [dreg:s7], $0x2FFFF;
	_ =	strace $0x9FFFFFFF  }
0xc2: {  	(tm) =	ssettm $0x7FFFFFFF  }
0xc3: {  	_ =	shalt  }
tec
execute0_lowered:
.L_overlay_start_1:
0x0: {  	(tag) =	ssettag $0x1  }
0x1: {  	s0 =	rddreg [dreg:$0x0];
	s1 =	srdreg.scid  }
0x2: {  	s7 =	stileid.u32;
	s2 =	rddreg [dreg:$0x1];
	s4 =	simm.s32 $0x0  }
0x3: {  	s28 =	simm.s32 $0x6400;
	s30 =	simm.s32 $0x1;
	s5 =	smul.u32 $0xE0000, s7  }
0x4: {  	s1 =	sand.u32 $0x1, s1;
	s3 =	sshll.u32 s7, $0x1;
	s7 =	smul.u32 $0x700000, s7  }
0x5: {  	s31 =	simm.s32 $0x40;
	[smem:$0x7FF] =	sst s4;
	s9 =	smul.u32 $0x380000, s1  }
0x6: {  	s3 =	sor.u32 s1, s3;
	s6 =	ssub.s32 $0x2, s1;
	s1 =	smul.u32 $0x70000, s1  }
0x7: {  	_ =	strace $0x80000047;
	s22 =	smul.u32 $0xC80, s3;
	s8 =	sshrl.u32 s6, $0x1  }
0x8: {  	s3 =	sadd.s32 $0x800, s0;
	s0 =	sadd.s32 $0xF42C00, s0;
	s6 =	ssub.s32 s6, s8  }
0x9: {  	s24 =	sadd.s32 s5, s0;
	s4 =	sadd.s32 s9, s7;
	s5 =	simm.s32 $0x2  }
0xa: {  	s2 =	sadd.s32 s2, s22;
	s23 =	smax.u32 s6, $0x1;
	s1 =	sadd.s32 s1, s24  }
0xb: {  	s25 =	sor.u32 $0x28400, s4;
	s26 =	sor.u32 $0x26800, s4;
	s29 =	sor.u32 $0x24C00, s4  }
0xc: {  	s8 =	sor.u32 $0x23000, s4;
	s9 =	sor.u32 $0x21400, s4;
	s10 =	sor.u32 $0x1F800, s4  }
0xd: {  	s13 =	sor.u32 $0x1A400, s4;
	s14 =	sor.u32 $0x18800, s4;
	s15 =	sor.u32 $0x16C00, s4  }
0xe: {  	s17 =	sor.u32 $0x15000, s4;
	s18 =	sor.u32 $0x13400, s4;
	[dreg:$0x3] =	wrdreg s2  }
0xf: {  	s19 =	sor.u32 $0x11800, s4;
	s21 =	sor.u32 $0xC400, s4;
	[dreg:$0x4] =	wrdreg s23  }
0x10: {  	s22 =	sor.u32 $0xA800, s4;
	[dreg:$0x5] =	wrdreg s1;
	s1 =	sshrl.u32 s25, $0x3  }
0x11: {  	s2 =	sshrl.u32 s26, $0x3;
	s7 =	sshrl.u32 s29, $0x3;
	s12 =	sshrl.u32 s10, $0x3  }
0x12: {  	s16 =	sshrl.u32 s15, $0x3;
	s20 =	sshrl.u32 s19, $0x3;
	s23 =	sor.u32 $0x8C00, s4  }
0x13: {  	s25 =	sor.u32 $0x7000, s4;
	s26 =	sor.u32 $0x5400, s4;
	s4 =	sor.u32 $0x3800, s4  }
0x14: {  	s1 =	sadd.s32 s1, s0;
	s6 =	sadd.s32 s2, s0;
	s2 =	sshrl.u32 s9, $0x3  }
0x15: {  	s12 =	sadd.s32 s12, s0;
	s15 =	sadd.s32 s16, s0;
	s24 =	sshrl.u32 s23, $0x3  }
0x16: {  	s29 =	sshrl.u32 s4, $0x3;
	s4 =	simm.s32 $0x12C00;
	[dreg:$0x6] =	wrdreg s1  }
0x17: {  	[dreg:$0x7] =	wrdreg s6;
	s1 =	sadd.s32 s7, s0;
	s11 =	sadd.s32 s2, s0  }
0x18: {  	s2 =	sshrl.u32 s14, $0x3;
	[dreg:$0x8] =	wrdreg s1;
	s1 =	sshrl.u32 s8, $0x3  }
0x19: {  	s7 =	simm.s32 $0x0;
	s14 =	sadd.s32 s2, s0;
	s1 =	sadd.s32 s1, s0  }
0x1a: {  	s2 =	sshrl.u32 s18, $0x3;
	[dreg:$0x9] =	wrdreg s1;
	s1 =	sshrl.u32 s13, $0x3  }
0x1b: {  	s18 =	sadd.s32 s20, s0;
	s13 =	sadd.s32 s1, s0;
	s1 =	sshrl.u32 s17, $0x3  }
0x1c: {  	s17 =	sadd.s32 s2, s0;
	s2 =	sshrl.u32 s22, $0x3;
	s16 =	sadd.s32 s1, s0  }
.Ltmp0:
0x1d: {  	s1 =	sshrl.u32 s21, $0x3;
	s20 =	sadd.s32 s2, s0;
	(pc) =	sbr.rel .LBB2_1-.Ltmp0, $4  }
0x1e: {  	s21 =	sadd.s32 s24, s0;
	s2 =	sshrl.u32 s26, $0x3;
	s24 =	sadd.s32 s29, s0  }
0x1f: {  	s26 =	simm.s32 $0x190;
	s19 =	sadd.s32 s1, s0;
	s1 =	sshrl.u32 s25, $0x3  }
0x20: {  	s23 =	sadd.s32 s2, s0;
	s25 =	simm.s32 $0x3;
	s2 =	simm.s32 $0x6  }
0x21: {  	s22 =	sadd.s32 s1, s0;
	s1 =	simm.s32 $0x80;
	s0 =	simm.s32 $0x4  }
.LBB2_6:
0x22: {  	s6 =	simm.s32 $0x5  }
0x23: {  	_ =	swait.ge [sflag:s6], $0xC80  }
0x24: {  	[sflag:s6] =	ssyncset.done $0x0  }
0x25: {  	[sflag:s6] =	ssyncadd.s32 $0xFFFFF380  }
0x26: {  	_ =	swait.ge [sflag:s6], $0xC80  }
0x27: {  	[sflag:s6] =	ssyncset.done $0x0  }
0x28: {  	[sflag:s6] =	ssyncadd.s32 $0xFFFFF380  }
0x29: {  	_ =	swait.ge [sflag:s6], $0xC80  }
0x2a: {  	[sflag:s6] =	ssyncset.done $0x0  }
0x2b: {  	[sflag:s6] =	ssyncadd.s32 $0xFFFFF380  }
0x2c: {  	_ =	swait.ge [sflag:s6], $0xC80  }
0x2d: {  	[sflag:s6] =	ssyncset.done $0x0  }
0x2e: {  	[sflag:s6] =	ssyncadd.s32 $0xFFFFF380  }
0x2f: {  	_ =	swait.ge [sflag:s6], $0xC80  }
0x30: {  	[sflag:s6] =	ssyncset.done $0x0  }
0x31: {  	[sflag:s6] =	ssyncadd.s32 $0xFFFFF380  }
0x32: {  	_ =	swait.ge [sflag:s6], $0xC80  }
0x33: {  	[sflag:s6] =	ssyncset.done $0x0  }
0x34: {  	[sflag:s6] =	ssyncadd.s32 $0xFFFFF380  }
0x35: {  	_ =	swait.ge [sflag:s6], $0xC80  }
0x36: {  	[sflag:s6] =	ssyncset.done $0x0  }
0x37: {  	[sflag:s6] =	ssyncadd.s32 $0xFFFFF380  }
0x38: {  	_ =	swait.ge [sflag:s6], $0xC80  }
0x39: {  	[sflag:s6] =	ssyncset.done $0x0  }
0x3a: {  	[sflag:s6] =	ssyncadd.s32 $0xFFFFF380  }
0x3b: {  	_ =	swait.ge [sflag:s2], $0xC80  }
0x3c: {  	[sflag:s2] =	ssyncset.done $0x0  }
0x3d: {  	[sflag:s2] =	ssyncadd.s32 $0xFFFFF380  }
0x3e: {  	_ =	swait.ge [sflag:s2], $0xC80  }
0x3f: {  	[sflag:s2] =	ssyncset.done $0x0  }
0x40: {  	[sflag:s2] =	ssyncadd.s32 $0xFFFFF380  }
0x41: {  	_ =	swait.ge [sflag:s2], $0xC80  }
0x42: {  	[sflag:s2] =	ssyncset.done $0x0  }
0x43: {  	[sflag:s2] =	ssyncadd.s32 $0xFFFFF380  }
0x44: {  	_ =	swait.ge [sflag:s2], $0xC80  }
0x45: {  	[sflag:s2] =	ssyncset.done $0x0  }
0x46: {  	[sflag:s2] =	ssyncadd.s32 $0xFFFFF380  }
0x47: {  	_ =	swait.ge [sflag:s2], $0xC80  }
0x48: {  	[sflag:s2] =	ssyncset.done $0x0  }
0x49: {  	[sflag:s2] =	ssyncadd.s32 $0xFFFFF380  }
0x4a: {  	_ =	swait.ge [sflag:s2], $0xC80  }
0x4b: {  	[sflag:s2] =	ssyncset.done $0x0  }
0x4c: {  	[sflag:s2] =	ssyncadd.s32 $0xFFFFF380  }
0x4d: {  	_ =	swait.ge [sflag:s2], $0xC80  }
0x4e: {  	[sflag:s2] =	ssyncset.done $0x0  }
0x4f: {  	[sflag:s2] =	ssyncadd.s32 $0xFFFFF380  }
0x50: {  	_ =	swait.ge [sflag:s2], $0xC80  }
0x51: {  	[sflag:s2] =	ssyncset.done $0x0  }
0x52: {  	[sflag:s2] =	ssyncadd.s32 $0xFFFFF380  }
0x53: {  	_ =	swait.ge [sflag:s0], $0xC80  }
0x54: {  	[sflag:s0] =	ssyncset.done $0x0  }
0x55: {  	[sflag:s0] =	ssyncadd.s32 $0xFFFFF380  }
0x56: {  	_ =	swait.ge [sflag:s0], $0xC80  }
0x57: {  	[sflag:s0] =	ssyncset.done $0x0  }
0x58: {  	[sflag:s0] =	ssyncadd.s32 $0xFFFFF380  }
0x59: {  	_ =	swait.ge [sflag:s0], $0xC80  }
0x5a: {  	[sflag:s0] =	ssyncset.done $0x0  }
0x5b: {  	[sflag:s0] =	ssyncadd.s32 $0xFFFFF380  }
0x5c: {  	_ =	swait.ge [sflag:s0], $0xC80  }
0x5d: {  	[sflag:s0] =	ssyncset.done $0x0  }
0x5e: {  	[sflag:s0] =	ssyncadd.s32 $0xFFFFF380  }
0x5f: {  	_ =	swait.ge [sflag:s0], $0xC80  }
0x60: {  	[sflag:s0] =	ssyncset.done $0x0  }
0x61: {  	[sflag:s0] =	ssyncadd.s32 $0xFFFFF380  }
0x62: {  	_ =	swait.ge [sflag:s0], $0xC80  }
0x63: {  	[sflag:s0] =	ssyncset.done $0x0  }
0x64: {  	[sflag:s0] =	ssyncadd.s32 $0xFFFFF380  }
0x65: {  	_ =	swait.ge [sflag:s0], $0xC80  }
0x66: {  	[sflag:s0] =	ssyncset.done $0x0  }
0x67: {  	[sflag:s0] =	ssyncadd.s32 $0xFFFFF380  }
0x68: {  	_ =	swait.ge [sflag:s0], $0xC80  }
0x69: {  	s7 =	rddreg [dreg:$0xa]  }
0x6a: {  	s29 =	rddreg [dreg:$0x4];
	s7 =	sadd.s32 $0x1, s7  }
0x6b: {  	p0 =	sne.s32 s7, s29  }
.Ltmp1:
0x6c: {  	_ = 	snop;
	(pc) =	sbr.rel @!p0 .LBB2_7-.Ltmp1, $3  }
0x6d: {  	_ =	sdelay $0x1  }
0x6e: {  	[sflag:s0] =	ssyncset.done $0x0  }
0x6f: {  	[sflag:s0] =	ssyncadd.s32 $0xFFFFF380  }
.LBB2_1:
0x70: {  	[dreg:$0xa] =	wrdreg s7  }
0x71: {  	s6 =	simm.s32 $0x0;
	s8 =	rddreg [dreg:$0x3];
	s9 =	simm.s32 $0x7  }
0x72: {  	[tilespmem:s6], [sflag:$0x7] =	stream.linear.gather [hbm4b:s8+s6], $0x6400, $0x38;
	[tilespmem:$0x19000] =	vst v63  }
0x73: {  	_ =	swait.ge [sflag:s9], $0x6400  }
.Ltmp2:
0x74: {  	[sflag:s9] =	ssyncset.done $0x0;
	(pc) =	sbr.rel .LBB2_2-.Ltmp2, $4  }
0x75: {  	s10 =	simm.s32 $0xC800;
	[sflag:s9] =	ssyncadd.s32 $0xFFFF9C00  }
0x76: {  	[tilespmem:s28], [sflag:$0x1] =	stream.indirect.gather [hbm4b:s3+s26], $0x40, s6, s26, $0xb8;
	[tilespmem:$0x19000] =	vst v63  }
0x77: {  	s29 =	simm.s32 $0x640;
	s7 =	simm.s32 $0x0;
	s6 =	simm.s32 $0x0  }
0x78: {  	[tilespmem:s10], [sflag:$0x2] =	stream.indirect.gather [hbm4b:s3+s26], $0x40, s26, s26, $0xb8;
	[tilespmem:$0x19000] =	vst v63  }
.LBB2_5:
0x79: {  	s9 =	sadd.s32 $0xFFFFFCE0, s29  }
0x7a: {  	[tilespmem:s4], [sflag:$0x3] =	stream.indirect.gather [hbm4b:s3+s26], $0x40, s9, s26, $0xb8;
	[tilespmem:$0x19000] =	vst v63  }
0x7b: {  	_ =	swait.ge [sflag:s5], $0x6400  }
0x7c: {  	[sflag:s5] =	ssyncset.done $0x0  }
0x7d: {  	s10 =	simm.s32 $0xC800;
	s9 =	sadd.s32 $0x1C00, s8;
	[sflag:s5] =	ssyncadd.s32 $0xFFFF9C00  }
0x7e: {  	[hbm4b:s9+s31] =	stream.strided.scatter [tilespmem:s10], [sflag:$0x5], $0xC80, s1, s31, $0x38;
	[tilespmem:$0x19000] =	vst v63  }
0x7f: {  	s9 =	sadd.s32 $0x1F80, s8;
	s10 =	simm.s32 $0xD480  }
0x80: {  	[hbm4b:s9+s31] =	stream.strided.scatter [tilespmem:s10], [sflag:$0x5], $0xC80, s1, s31, $0x38;
	[tilespmem:$0x19000] =	vst v63  }
0x81: {  	s9 =	sadd.s32 s6, s18;
	s10 =	simm.s32 $0xE100  }
0x82: {  	[hbm4b:s9+s31] =	stream.strided.scatter [tilespmem:s10], [sflag:$0x5], $0xC80, s1, s31, $0x38;
	[tilespmem:$0x19000] =	vst v63  }
0x83: {  	s9 =	sadd.s32 s6, s17;
	s10 =	simm.s32 $0xED80  }
0x84: {  	[hbm4b:s9+s31] =	stream.strided.scatter [tilespmem:s10], [sflag:$0x5], $0xC80, s1, s31, $0x38;
	[tilespmem:$0x19000] =	vst v63  }
0x85: {  	s9 =	sadd.s32 s6, s16;
	s10 =	simm.s32 $0xFA00  }
0x86: {  	[hbm4b:s9+s31] =	stream.strided.scatter [tilespmem:s10], [sflag:$0x5], $0xC80, s1, s31, $0x38;
	[tilespmem:$0x19000] =	vst v63  }
0x87: {  	s9 =	sadd.s32 s6, s15;
	s10 =	simm.s32 $0x10680  }
0x88: {  	[hbm4b:s9+s31] =	stream.strided.scatter [tilespmem:s10], [sflag:$0x5], $0xC80, s1, s31, $0x38;
	[tilespmem:$0x19000] =	vst v63  }
0x89: {  	s9 =	sadd.s32 s6, s14;
	s10 =	simm.s32 $0x11300  }
0x8a: {  	[hbm4b:s9+s31] =	stream.strided.scatter [tilespmem:s10], [sflag:$0x5], $0xC80, s1, s31, $0x38;
	[tilespmem:$0x19000] =	vst v63  }
0x8b: {  	s9 =	sadd.s32 s6, s13;
	s10 =	simm.s32 $0x11F80  }
0x8c: {  	[hbm4b:s9+s31] =	stream.strided.scatter [tilespmem:s10], [sflag:$0x5], $0xC80, s1, s31, $0x38;
	[tilespmem:$0x19000] =	vst v63  }
0x8d: {  	_ =	swait.ge [sflag:s0], $0xC80  }
0x8e: {  	[sflag:s0] =	ssyncset.done $0x0  }
0x8f: {  	[sflag:s0] =	ssyncadd.s32 $0xFFFFF380  }
0x90: {  	_ =	swait.ge [sflag:s0], $0xC80  }
0x91: {  	[sflag:s0] =	ssyncset.done $0x0  }
0x92: {  	[sflag:s0] =	ssyncadd.s32 $0xFFFFF380  }
0x93: {  	_ =	swait.ge [sflag:s0], $0xC80  }
0x94: {  	[sflag:s0] =	ssyncset.done $0x0  }
0x95: {  	[sflag:s0] =	ssyncadd.s32 $0xFFFFF380  }
0x96: {  	_ =	swait.ge [sflag:s0], $0xC80  }
0x97: {  	[sflag:s0] =	ssyncset.done $0x0  }
0x98: {  	[sflag:s0] =	ssyncadd.s32 $0xFFFFF380  }
0x99: {  	_ =	swait.ge [sflag:s0], $0xC80  }
0x9a: {  	[sflag:s0] =	ssyncset.done $0x0  }
0x9b: {  	[sflag:s0] =	ssyncadd.s32 $0xFFFFF380  }
0x9c: {  	_ =	swait.ge [sflag:s0], $0xC80  }
0x9d: {  	[sflag:s0] =	ssyncset.done $0x0  }
0x9e: {  	[sflag:s0] =	ssyncadd.s32 $0xFFFFF380  }
0x9f: {  	_ =	swait.ge [sflag:s0], $0xC80  }
0xa0: {  	[sflag:s0] =	ssyncset.done $0x0  }
0xa1: {  	[sflag:s0] =	ssyncadd.s32 $0xFFFFF380  }
0xa2: {  	_ =	swait.ge [sflag:s0], $0xC80  }
0xa3: {  	[sflag:s0] =	ssyncset.done $0x0  }
0xa4: {  	s10 =	sadd.s32 $0xFFFFFE70, s29;
	[sflag:s0] =	ssyncadd.s32 $0xFFFFF380  }
0xa5: {  	[tilespmem:s28], [sflag:$0x1] =	stream.indirect.gather [hbm4b:s3+s26], $0x40, s10, s26, $0xb8;
	[tilespmem:$0x19000] =	vst v63  }
0xa6: {  	_ =	swait.ge [sflag:s25], $0x6400  }
0xa7: {  	[sflag:s25] =	ssyncset.done $0x0  }
0xa8: {  	s10 =	sadd.s32 $0x3800, s8;
	[sflag:s25] =	ssyncadd.s32 $0xFFFF9C00  }
0xa9: {  	[hbm4b:s10+s31] =	stream.strided.scatter [tilespmem:s4], [sflag:$0x6], $0xC80, s1, s31, $0x38;
	[tilespmem:$0x19000] =	vst v63  }
0xaa: {  	s9 =	sadd.s32 $0x3B80, s8;
	s10 =	simm.s32 $0x13880  }
0xab: {  	[hbm4b:s9+s31] =	stream.strided.scatter [tilespmem:s10], [sflag:$0x6], $0xC80, s1, s31, $0x38;
	[tilespmem:$0x19000] =	vst v63  }
0xac: {  	s9 =	sadd.s32 s6, s12;
	s10 =	simm.s32 $0x14500  }
0xad: {  	[hbm4b:s9+s31] =	stream.strided.scatter [tilespmem:s10], [sflag:$0x6], $0xC80, s1, s31, $0x38;
	[tilespmem:$0x19000] =	vst v63  }
0xae: {  	s9 =	sadd.s32 s6, s11;
	s10 =	simm.s32 $0x15180  }
0xaf: {  	[hbm4b:s9+s31] =	stream.strided.scatter [tilespmem:s10], [sflag:$0x6], $0xC80, s1, s31, $0x38;
	[tilespmem:$0x19000] =	vst v63  }
0xb0: {  	s9 =	rddreg [dreg:$0x9]  }
0xb1: {  	s10 =	simm.s32 $0x15E00;
	s8 =	sadd.s32 s6, s9;
	s9 =	rddreg [dreg:$0x8]  }
0xb2: {  	[hbm4b:s8+s31] =	stream.strided.scatter [tilespmem:s10], [sflag:$0x6], $0xC80, s1, s31, $0x38;
	[tilespmem:$0x19000] =	vst v63  }
0xb3: {  	s8 =	sadd.s32 s6, s9;
	s10 =	simm.s32 $0x16A80;
	s9 =	rddreg [dreg:$0x7]  }
0xb4: {  	[hbm4b:s8+s31] =	stream.strided.scatter [tilespmem:s10], [sflag:$0x6], $0xC80, s1, s31, $0x38;
	[tilespmem:$0x19000] =	vst v63  }
0xb5: {  	s8 =	sadd.s32 s6, s9;
	s10 =	simm.s32 $0x17700;
	s9 =	rddreg [dreg:$0x6]  }
0xb6: {  	[hbm4b:s8+s31] =	stream.strided.scatter [tilespmem:s10], [sflag:$0x6], $0xC80, s1, s31, $0x38;
	[tilespmem:$0x19000] =	vst v63  }
0xb7: {  	p0 =	sgt.u32 s7, $0x13;
	s8 =	sadd.s32 s6, s9;
	s10 =	simm.s32 $0x18380  }
0xb8: {  	[hbm4b:s8+s31] =	stream.strided.scatter [tilespmem:s10], [sflag:$0x6], $0xC80, s1, s31, $0x38;
	[tilespmem:$0x19000] =	vst v63  }
0xb9: {  	s8 =	simm.s32 @!p0 $0x5  }
0xba: {  	_ =	swait.ge @!p0 [sflag:s8], $0xC80  }
0xbb: {  	[sflag:s8] =	ssyncset.done @!p0 $0x0  }
0xbc: {  	[sflag:s8] =	ssyncadd.s32 @!p0 $0xFFFFF380  }
0xbd: {  	_ =	swait.ge @!p0 [sflag:s8], $0xC80  }
0xbe: {  	[sflag:s8] =	ssyncset.done @!p0 $0x0  }
0xbf: {  	[sflag:s8] =	ssyncadd.s32 @!p0 $0xFFFFF380  }
0xc0: {  	_ =	swait.ge @!p0 [sflag:s8], $0xC80  }
0xc1: {  	[sflag:s8] =	ssyncset.done @!p0 $0x0  }
0xc2: {  	[sflag:s8] =	ssyncadd.s32 @!p0 $0xFFFFF380  }
0xc3: {  	_ =	swait.ge @!p0 [sflag:s8], $0xC80  }
0xc4: {  	[sflag:s8] =	ssyncset.done @!p0 $0x0  }
0xc5: {  	[sflag:s8] =	ssyncadd.s32 @!p0 $0xFFFFF380  }
0xc6: {  	_ =	swait.ge @!p0 [sflag:s8], $0xC80  }
0xc7: {  	[sflag:s8] =	ssyncset.done @!p0 $0x0  }
0xc8: {  	[sflag:s8] =	ssyncadd.s32 @!p0 $0xFFFFF380  }
0xc9: {  	_ =	swait.ge @!p0 [sflag:s8], $0xC80  }
0xca: {  	[sflag:s8] =	ssyncset.done @!p0 $0x0  }
0xcb: {  	[sflag:s8] =	ssyncadd.s32 @!p0 $0xFFFFF380  }
0xcc: {  	_ =	swait.ge @!p0 [sflag:s8], $0xC80  }
0xcd: {  	[sflag:s8] =	ssyncset.done @!p0 $0x0  }
0xce: {  	[sflag:s8] =	ssyncadd.s32 @!p0 $0xFFFFF380  }
0xcf: {  	_ =	swait.ge @!p0 [sflag:s8], $0xC80  }
0xd0: {  	s9 =	simm.s32 @!p0 $0xC800;
	[sflag:s8] =	ssyncset.done @!p0 $0x0  }
0xd1: {  	s6 =	sadd.s32 $0x5400, s6;
	[sflag:s8] =	ssyncadd.s32 @!p0 $0xFFFFF380;
	s8 =	simm.s32 @!p0 $0x190  }
0xd2: {  	[tilespmem:s9], [sflag:$0x2] =	stream.indirect.gather @!p0 [hbm4b:s3+s8], $0x40, s29, s8, $0xb8;
	[tilespmem:$0x19000] =	vst v63  }
0xd3: {  	p0 =	sne.s32 s6, $0x73800  }
.Ltmp3:
0xd4: {  	_ = 	snop;
	(pc) =	sbr.rel @!p0 .LBB2_6-.Ltmp3, $2  }
0xd5: {  	_ =	sdelay $0x2  }
0xd6: {  	s7 =	sadd.s32 $0x1, s7;
	s29 =	sadd.s32 $0x4B0, s29  }
.LBB2_2:
0xd7: {  	_ =	swait.ge [sflag:s30], $0x6400  }
0xd8: {  	[sflag:s30] =	ssyncset.done $0x0;
	s8 =	rddreg [dreg:$0x5]  }
0xd9: {  	[sflag:s30] =	ssyncadd.s32 $0xFFFF9C00;
	s8 =	sadd.s32 s6, s8  }
0xda: {  	[hbm4b:s8+s31] =	stream.strided.scatter [tilespmem:s28], [sflag:$0x4], $0xC80, s1, s31, $0x38;
	[tilespmem:$0x19000] =	vst v63  }
0xdb: {  	s10 =	simm.s32 $0x7080;
	s9 =	sadd.s32 $0x380, s8  }
0xdc: {  	[hbm4b:s9+s31] =	stream.strided.scatter [tilespmem:s10], [sflag:$0x4], $0xC80, s1, s31, $0x38;
	[tilespmem:$0x19000] =	vst v63  }
0xdd: {  	s9 =	sadd.s32 s6, s24;
	s10 =	simm.s32 $0x7D00  }
0xde: {  	[hbm4b:s9+s31] =	stream.strided.scatter [tilespmem:s10], [sflag:$0x4], $0xC80, s1, s31, $0x38;
	[tilespmem:$0x19000] =	vst v63  }
0xdf: {  	s9 =	sadd.s32 s6, s23;
	s10 =	simm.s32 $0x8980  }
0xe0: {  	[hbm4b:s9+s31] =	stream.strided.scatter [tilespmem:s10], [sflag:$0x4], $0xC80, s1, s31, $0x38;
	[tilespmem:$0x19000] =	vst v63  }
0xe1: {  	s9 =	sadd.s32 s6, s22;
	s10 =	simm.s32 $0x9600  }
0xe2: {  	[hbm4b:s9+s31] =	stream.strided.scatter [tilespmem:s10], [sflag:$0x4], $0xC80, s1, s31, $0x38;
	[tilespmem:$0x19000] =	vst v63  }
0xe3: {  	p0 =	seq.s32 s7, $0x0;
	s9 =	sadd.s32 s6, s21;
	s10 =	simm.s32 $0xA280  }
0xe4: {  	[hbm4b:s9+s31] =	stream.strided.scatter [tilespmem:s10], [sflag:$0x4], $0xC80, s1, s31, $0x38;
	[tilespmem:$0x19000] =	vst v63  }
.Ltmp4:
0xe5: {  	_ = 	snop;
	(pc) =	sbr.rel @p0 .LBB2_5-.Ltmp4, $4  }
0xe6: {  	s9 =	sadd.s32 s6, s20;
	s10 =	simm.s32 $0xAF00  }
0xe7: {  	[hbm4b:s9+s31] =	stream.strided.scatter [tilespmem:s10], [sflag:$0x4], $0xC80, s1, s31, $0x38;
	[tilespmem:$0x19000] =	vst v63  }
0xe8: {  	s9 =	sadd.s32 s6, s19;
	s10 =	simm.s32 $0xBB80  }
0xe9: {  	[hbm4b:s9+s31] =	stream.strided.scatter [tilespmem:s10], [sflag:$0x4], $0xC80, s1, s31, $0x38;
	[tilespmem:$0x19000] =	vst v63  }
0xea: {  	p0 =	seq.s32 s7, $0x15  }
.Ltmp5:
0xeb: {  	_ = 	snop;
	(pc) =	sbr.rel @p0 .LBB2_6-.Ltmp5, $1  }
0xec: {  	_ =	sdelay $0x3  }
0xed: {  	_ =	swait.ge [sflag:s2], $0xC80  }
0xee: {  	[sflag:s2] =	ssyncset.done $0x0  }
0xef: {  	[sflag:s2] =	ssyncadd.s32 $0xFFFFF380  }
0xf0: {  	_ =	swait.ge [sflag:s2], $0xC80  }
0xf1: {  	[sflag:s2] =	ssyncset.done $0x0  }
0xf2: {  	[sflag:s2] =	ssyncadd.s32 $0xFFFFF380  }
0xf3: {  	_ =	swait.ge [sflag:s2], $0xC80  }
0xf4: {  	[sflag:s2] =	ssyncset.done $0x0  }
0xf5: {  	[sflag:s2] =	ssyncadd.s32 $0xFFFFF380  }
0xf6: {  	_ =	swait.ge [sflag:s2], $0xC80  }
0xf7: {  	[sflag:s2] =	ssyncset.done $0x0  }
0xf8: {  	[sflag:s2] =	ssyncadd.s32 $0xFFFFF380  }
0xf9: {  	_ =	swait.ge [sflag:s2], $0xC80  }
0xfa: {  	[sflag:s2] =	ssyncset.done $0x0  }
0xfb: {  	[sflag:s2] =	ssyncadd.s32 $0xFFFFF380  }
0xfc: {  	_ =	swait.ge [sflag:s2], $0xC80  }
0xfd: {  	[sflag:s2] =	ssyncset.done $0x0  }
0xfe: {  	[sflag:s2] =	ssyncadd.s32 $0xFFFFF380  }
0xff: {  	_ =	swait.ge [sflag:s2], $0xC80  }
.Ltmp6:
0x100: {  	[sflag:s2] =	ssyncset.done $0x0;
	(pc) =	sbr.rel .LBB2_5-.Ltmp6, $4  }
0x101: {  	[sflag:s2] =	ssyncadd.s32 $0xFFFFF380  }
0x102: {  	_ =	swait.ge [sflag:s2], $0xC80  }
0x103: {  	[sflag:s2] =	ssyncset.done $0x0  }
0x104: {  	[sflag:s2] =	ssyncadd.s32 $0xFFFFF380  }
.LBB2_7:
0x105: {  	_ =	sfence.sel $0x180000  }
0x106: {  	[bflag:$0x0] =	sbarrier.arrive $0xFFFF  }
0x107: {  	_ =	strace $0x90000047  }
0x108: {  	s0 =	stileid.u32;
	[bflag:$0x2] =	sbarrier.arrive $0xFFFF  }
0x109: {  	p0 =	sne.s32 s0, $0x0;
	s0 =	rddreg [dreg:$0x2]  }
0x10a: {  	s0 =	sadd.s32 @!p0 $0x100000, s0  }
0x10b: {  	[sflag:s0] =	ssyncadd.tile.s32 @!p0 $0x1;
	_ =	shalt  }
.Lfunc_end2:
_tile_overlayer_lowered:
.L_overlay_start_2:
0x10c: {  	(tag) =	ssettag $0x2  }
0x10d: {  	s0 =	rddreg [dreg:$0x0];
	s2 =	stileid.u32  }
0x10e: {  	s1 =	rddreg [dreg:$0x1];
	p0 =	sne.s32 s2, $0x0  }
0x10f: {  	s3 =	rddreg [dreg:$0x2];
	[bflag:$0x3] =	sbarrier.arrive $0xFFFF;
	s2 =	simm.s32 @!p0 $0x1C07  }
0x110: {  	[timem:s3], [sflag:s2] =	dma.local @!p0 [hbm:s0], s1  }
0x111: {  	s0 =	simm.s32 @!p0 $0x7  }
0x112: {  	_ =	swait.ge @!p0 [sflag:s0], s1  }
0x113: {  	s1 =	ssub.s32 @!p0 $0x0, s1;
	[sflag:s0] =	ssyncset.done @!p0 $0x0  }
0x114: {  	[sflag:s0] =	ssyncadd.s32 @!p0 s1  }
0x115: {  	[bflag:$0x3] =	sbarrier.arrive $0xFFFF  }
0x116: {  	_ =	shalt  }

// kernel: sparse-core-data-format-call.cloned.1.call-start
scs
called_computation_lowered:
.L_overlay_start_0:
0x0: {  	s2 =	sld [smem:$0x3FD9]  }
0x1: {  	s3 =	sld [smem:$0x3FFE];
	_ =	sdelay $0x1  }
0x2: {  	s1 =	srdreg.scid  }
0x3: {  	s0 =	sand.u32 $0x1, s1  }
0x4: {  	s18 =	sshll.u32 s0, $0xA;
	s2 =	sadd.s32 s3, s2  }
0x5: {  	s2 =	sadd.s32 s2, s18  }
0x6: {  	[smem:$0x3FC6] =	sst s2  }
0x7: {  	_ = 	snop  }
0x8: {  	s2 =	sld [smem:$0x3FD0];
	(tm) =	ssettm $0x1  }
0x9: {  	s19 =	sld [smem:$0x3FFB];
	_ =	sdelay $0x3  }
0xa: {  	_ =	strace s19  }
0xb: {  	s3 =	sld [smem:$0x3FFC];
	_ =	sdelay $0x3  }
0xc: {  	_ =	strace s3  }
0xd: {  	s3 =	sld [smem:$0x3FFD];
	_ =	sdelay $0x3  }
0xe: {  	_ =	strace s3  }
0xf: {  	_ =	strace $0x8FFFFFFF  }
0x10: {  	s20 =	sld [smem:$0x3FDB];
	_ =	sdelay $0x1  }
0x11: {  	s4 =	simm.s32 $_scs_section_size  }
0x12: {  	s5 =	simm.s32 $_size__tile_overlayer_lowered;
	s6 =	simm.s32 $_tile_overlayer_lowered  }
0x13: {  	s23 =	simm.s32 $0x1BFF;
	s22 =	sshll.u32 s6, $0x1;
	s3 =	sadd.s32 s4, s20  }
0x14: {  	s7 =	simm.s32 $0x0;
	s21 =	sshll.u32 s5, $0x1;
	s5 =	sadd.s32 s22, s3  }
0x15: {  	[timem:s7], [sflag:s23] =	dma.local [hbm:s5], s21  }
0x16: {  	_ =	swait.ge [sflag:s23], s21  }
0x17: {  	s4 =	ssub.s32 $0x0, s21;
	[sflag:s23] =	ssyncset.done $0x0  }
0x18: {  	[sflag:s23] =	ssyncadd.s32 s4;
	_ =	sdelay $0x1  }
0x19: {  	s24 =	simm.s32 $0x1B8B  }
0x1a: {  	_ =	swait.ge [sflag:s24], $0x1  }
0x1b: {  	[sflag:s24] =	ssyncset.done $0x0  }
0x1c: {  	s26 =	simm.s32 $0x1B8E;
	s25 =	sld [smem:$0x3FFE];
	[sflag:s24] =	ssyncadd.s32 $0xFFFFFFFF  }
0x1d: {  	s27 =	simm.s32 $execute0_lowered;
	[smem:$0x3FD2] =	sst s26  }
0x1e: {  	s5 =	sshll.u32 s27, $0x1;
	_ =	strace $0x80000049;
	[dreg:$0x1] =	wrdreg $0xFFFFFFFF  }
0x1f: {  	s28 =	simm.s32 $_size_execute0_lowered;
	s3 =	sadd.s32 s3, s5;
	[dreg:$0x0] =	wrdreg $0x0  }
0x20: {  	s5 =	sshll.u32 s28, $0x1;
	[dreg:$0x2] =	wrdreg s3  }
0x21: {  	[dreg:$0x3] =	wrdreg s5  }
0x22: {  	[dreg:$0x4] =	wrdreg $0xC0  }
0x23: {  	_ =	task [dreg:s7], $0x5FFFF  }
0x24: {  	[dreg:$0x1] =	wrdreg $0xFFFFFFFF  }
0x25: {  	[dreg:$0x0] =	wrdreg $0x60  }
0x26: {  	[dreg:$0x2] =	wrdreg s25  }
0x27: {  	[dreg:$0x3] =	wrdreg s2  }
0x28: {  	[dreg:$0x4] =	wrdreg $0x9  }
0x29: {  	_ =	task.clear_ibuf [dreg:s7], $0x5FFFF;
	_ =	strace $0x90000049  }
0x2a: {  	s29 =	simm.s32 $0x9;
	_ =	strace $0x8000004B  }
0x2b: {  	_ =	swait.ge [sflag:s29], $0x1  }
0x2c: {  	[sflag:s29] =	ssyncadd.s32 $0xFFFFFFFF  }
0x2d: {  	_ =	strace $0x9000004B  }
0x2e: {  	_ =	sfence  }
0x2f: {  	s30 =	sld [smem:$0x0];
	_ =	sdelay $0x2  }
0x30: {  	s31 =	sshll.u32 s1, $0xD;
	s1 =	sshrl.u32 s1, $0x2  }
0x31: {  	s3 =	sand.u32 $0x4000, s31;
	s1 =	sadd.s32 s1, s30  }
0x32: {  	s0 =	sor.u32 s3, s0;
	s1 =	sshll.u32 s1, $0x11  }
0x33: {  	s0 =	sor.u32 s1, s0  }
0x34: {  	s0 =	sadd.s32 $0x8F2B, s0  }
0x35: {  	[sflag:s0] =	ssyncadd.remote.s32 $0x1  }
0x36: {  	_ =	sfence.sel $0xFFFF  }
0x37: {  	[dreg:$0x0] =	wrdreg $0xFFFFFFFF;
	(pc) =	sbr.abs _section_cstart, $3  }
0x38: {  	[dreg:$0x1] =	wrdreg $0xFFFFFFFF  }
0x39: {  	_ =	task.clear_ibuf [dreg:s7], $0x2FFFF;
	_ =	strace $0x9FFFFFFF  }
0x3a: {  	(tm) =	ssettm $0x7FFFFFFF  }
0x3b: {  	_ =	shalt  }
tec
execute0_lowered:
.L_overlay_start_1:
0x0: {  	(tag) =	ssettag $0x1  }
0x1: {  	s0 =	srdreg.scid  }
0x2: {  	s1 =	sshll.u32 s0, $0x4  }
0x3: {  	s0 =	stileid.u32;
	s1 =	sand.u32 $0x10, s1  }
0x4: {  	s1 =	sor.u32 s0, s1  }
0x5: {  	s6 =	rddreg [dreg:$0x0];
	s4 =	simm.s32 $0x1;
	s2 =	sshll.u32 s1, $0x7  }
0x6: {  	s7 =	simm.s32 $0x2;
	s12 =	simm.s32 $0x0;
	s1 =	ssub.s32 $0x4000, s2  }
0x7: {  	s8 =	simm.s32 $0x20000;
	s13 =	simm.s32 $0x0;
	s3 =	sand.u32 $0xF80, s1  }
0x8: {  	s9 =	simm.s32 $0x0;
	s5 =	sshrl.u32 s1, $0xC;
	p0 =	sne.s32 s3, $0x0  }
.Ltmp0:
0x9: {  	s1 =	rddreg [dreg:$0x2];
	s4 =	simm.s32 @!p0 $0x0;
	(pc) =	sbr.rel .LBB1_1-.Ltmp0, $4  }
0xa: {  	s11 =	simm.s32 $0x0;
	s3 =	rddreg [dreg:$0x1];
	s5 =	sadd.s32 s4, s5  }
0xb: {  	_ =	strace $0x8000004A;
	s4 =	simm.s32 $0x1;
	s5 =	smul.u32 $0x32, s5  }
0xc: {  	s6 =	sadd.s32 $0xF42C00, s6;
	s10 =	smov.u32 s2;
	[sflag:s4] =	ssyncpa.u1 $0x0  }
0xd: {  	p0 =	por $0x0, $0x0;
	[sflag:s7] =	ssyncpa.u1 $0x0;
	s7 =	sor.u32 $0x1, s5  }
.LBB1_4:
0xe: {  	s16 =	sshll.u32 s13, $0x3;
	s17 =	sand.u32 $0x78, s13  }
0xf: {  	s30 =	sand.u32 $0x1F800, s13;
	s12 =	sshll.u32 s12, $0x11;
	s16 =	sand.u32 $0x3C00, s16  }
0x10: {  	[tilespmem:s15+$0x810 ss:$0x81] =	vst.msk $0xffff, v2;
	s31 =	sand.u32 $0x7, s13;
	s16 =	sor.u32 s17, s16;
	s17 =	sadd.s32 s3, s30  }
0x11: {  	[tilespmem:s15+$0x1020 ss:$0x81] =	vst.msk $0xffff, v0;
	s13 =	sshll.u32 s31, $0x12;
	s12 =	sadd.s32 s12, s17;
	s16 =	sshrl.u32 s16, $0x3  }
0x12: {  	[tilespmem:s15+$0x0 ss:$0x81] =	vst.msk $0xffff, v1;
	s13 =	sor.u32 $0x400, s13;
	s12 =	sadd.s32 s16, s12  }
0x13: {  	[hbm4b:s12+s13] =	stream.strided.scatter [tilespmem:s14], [sflag:$0x2], $0x2000, s8, s13, $0x20;
	[tilespmem:$0x8080] =	vst v63  }
.LBB1_5:
0x14: {  	s14 =	sadd.s32 $0x1, s9  }
0x15: {  	s12 =	sadd.s32 $0x1000, s10;
	s16 =	smov.u32 s10;
	p2 =	sgt.s32 s14, $0x31  }
0x16: {  	s16 =	smov.u32 @p2 s12  }
0x17: {  	s14 =	simm.s32 @p2 $0x0;
	p2 =	sgt.s32 s16, $0x3FFF  }
0x18: {  	s16 =	smov.u32 @p2 s2;
	p2 =	sne.s32 s11, s7  }
.Ltmp1:
0x19: {  	p1 =	slt.u32 s11, $0x2;
	(pc) =	sbr.rel @!p2 .LBB1_6-.Ltmp1, $4  }
0x1a: {  	s15 =	simm.s32 @!p1 $0x2  }
0x1b: {  	s13 =	smov.u32 s10;
	p0 =	por !p0, !p0;
	_ =	swait.ge @!p1 [sflag:s15], $0x2000  }
0x1c: {  	s12 =	smov.u32 s9;
	[sflag:s15] =	ssyncset.done @!p1 $0x0;
	s9 =	smov.u32 s14  }
0x1d: {  	s11 =	sadd.s32 $0x1, s11;
	[sflag:s15] =	ssyncadd.s32 @!p1 $0xFFFFE000;
	s10 =	smov.u32 s16  }
.LBB1_1:
0x1e: {  	p1 =	sge.u32 s11, s5  }
0x1f: {  	s14 =	sand.u32 @!p1 $0x1FFFFFF, s9  }
0x20: {  	s15 =	smulhi.u32 @!p1 $0x4924925, s14;
	_ =	sdelay $0x1  }
0x21: {  	s15 =	smul.u32 @!p1 $0x38, s15  }
0x22: {  	s16 =	sxor.u32 @!p1 $0xFFFFFFFF, s11;
	s17 =	smul.u32 @!p1 $0x380, s10  }
0x23: {  	s31 =	sadd.s32 $0xFFFFFFFF, s11;
	s16 =	sshll.u32 @!p1 s16, $0xD;
	s14 =	ssub.s32 @!p1 s14, s15  }
0x24: {  	s15 =	sand.u32 @!p1 $0x2000, s16;
	s16 =	sadd.s32 @!p1 s6, s17;
	s14 =	sshll.u32 @!p1 s14, $0x4  }
0x25: {  	s17 =	simm.s32 @!p1 $0x1C00;
	s14 =	sadd.s32 @!p1 s14, s16;
	s16 =	simm.s32 @!p1 $0x40  }
0x26: {  	[tilespmem:s15], [sflag:$0x1] =	stream.strided.gather @!p1 [hbm4b:s14+s16], $0x2000, s17, s16, $0x38;
	[tilespmem:$0x8080] =	vst v63  }
0x27: {  	p1 =	sge.u32 s31, s5  }
.Ltmp2:
0x28: {  	_ = 	snop;
	(pc) =	sbr.rel @p1 .LBB1_5-.Ltmp2, $1  }
0x29: {  	_ =	sdelay $0x3  }
0x2a: {  	s14 =	simm.s32 $0x1  }
0x2b: {  	_ =	swait.ge [sflag:s4], $0x2000;
	s14 =	simm.s32 @!p0 $0x0  }
0x2c: {  	[sflag:s4] =	ssyncset.done $0x0;
	s15 =	sshll.u32 s14, $0xD  }
0x2d: {  	[sflag:s4] =	ssyncadd.s32 $0xFFFFE000;
	s18 =	sor.u32 $0x20, s15  }
0x2e: {  	s14 =	smul.u32 $0x8100, s14;
	v3 =	vld [tilespmem:s18+$0x10]  }
0x2f: {  	s30 =	sand.u32 $0x1, s11;
	v2 =	vld [tilespmem:s18+$0xFFFFFFF0]  }
0x30: {  	s15 =	smul.u32 $0x8100, s30;
	s14 =	sshrl.u32 s14, $0x2;
	v0 =	vld [tilespmem:s18+$0x0]  }
0x31: {  	v1 =	vld [tilespmem:s18+$0xFFFFFFE0];
	s16 =	sor.u32 $0x4000, s14  }
0x32: {  	s31 =	sshrl.u32 s15, $0x2;
	s15 =	sadd.s32 $0x0, s16  }
0x33: {  	s17 =	simm.s32 $0x4;
	s18 =	sadd.s32 $0x40, s18;
	s14 =	sor.u32 $0x4000, s31;
	[tilespmem:s15+$0x1830 ss:$0x81] =	vst.msk $0xffff, v3  }
.LBB1_3:
0x34: {  	v3 =	vld [tilespmem:s18+$0x10];
	p1 =	sne.s32 s17, $0x1FC;
	[tilespmem:s15+$0x810 ss:$0x81] =	vst.msk $0xffff, v2;
	s19 =	smov.u32 s17;
	s17 =	sadd.s32 $0x4, s17  }
.Ltmp3:
0x35: {  	v2 =	vld [tilespmem:s18+$0xFFFFFFF0];
	[tilespmem:s15+$0x1020 ss:$0x81] =	vst.msk $0xffff, v0;
	(pc) =	sbr.rel @p1 .LBB1_3-.Ltmp3, $4  }
0x36: {  	v0 =	vld [tilespmem:s18+$0x0];
	[tilespmem:s15+$0x0 ss:$0x81] =	vst.msk $0xffff, v1  }
0x37: {  	s15 =	sshra.s32 s19, $0x2;
	v1 =	vld [tilespmem:s18+$0xFFFFFFE0]  }
0x38: {  	s15 =	sadd.s32 s15, s16  }
0x39: {  	s18 =	sadd.s32 $0x40, s18;
	[tilespmem:s15+$0x1830 ss:$0x81] =	vst.msk $0xffff, v3  }
.Ltmp4:
0x3a: {  	_ = 	snop;
	(pc) =	sbr.rel .LBB1_4-.Ltmp4, $1  }
0x3b: {  	_ =	sdelay $0x3  }
.LBB1_6:
0x3c: {  	_ =	sfence.sel $0x180000  }
0x3d: {  	s2 =	simm.s32 $0x1;
	[bflag:$0x0] =	sbarrier.arrive $0xFFFF  }
0x3e: {  	s31 =	simm.s32 $0x2;
	[sflag:s2] =	ssyncpa.u1 $0x1  }
0x3f: {  	[sflag:s31] =	ssyncpa.u1 $0x1  }
0x40: {  	p0 =	sne.s32 s0, $0x0;
	_ =	strace $0x9000004A  }
0x41: {  	s0 =	sadd.s32 @!p0 $0x100000, s1;
	[bflag:$0x2] =	sbarrier.arrive $0xFFFF  }
0x42: {  	[sflag:s0] =	ssyncadd.tile.s32 @!p0 $0x1;
	_ =	shalt  }
.Lfunc_end1:
_tile_overlayer_lowered:
.L_overlay_start_2:
0x43: {  	(tag) =	ssettag $0x2  }
0x44: {  	s0 =	rddreg [dreg:$0x0];
	s2 =	stileid.u32  }
0x45: {  	s1 =	rddreg [dreg:$0x1];
	p0 =	sne.s32 s2, $0x0  }
0x46: {  	s3 =	rddreg [dreg:$0x2];
	[bflag:$0x3] =	sbarrier.arrive $0xFFFF;
	s2 =	simm.s32 @!p0 $0x1C01  }
0x47: {  	[timem:s3], [sflag:s2] =	dma.local @!p0 [hbm:s0], s1  }
0x48: {  	s0 =	simm.s32 @!p0 $0x1  }
0x49: {  	_ =	swait.ge @!p0 [sflag:s0], s1  }
0x4a: {  	s1 =	ssub.s32 @!p0 $0x0, s1;
	[sflag:s0] =	ssyncset.done @!p0 $0x0  }
0x4b: {  	[sflag:s0] =	ssyncadd.s32 @!p0 s1  }
0x4c: {  	[bflag:$0x3] =	sbarrier.arrive $0xFFFF  }
0x4d: {  	_ =	shalt  }

</sc_bundles>
